<compile_context>
chip_gen: v7x
topology: tpu7x:2x2x1
jax: 0.10.2.dev20260603
libtpu: 0.0.44.dev20260713+nightly
codegen_flags: <defaults>
</compile_context>

<pallas_src>
import functools

import jax
import jax.numpy as jnp
from jax import lax
from jax.experimental import pallas as pl
from jax.experimental.pallas import tpu as pltpu
from jax.experimental.pallas import tpu_sc as plsc

_BATCH = 16384
_NUM_EXPERTS = 64
_NUM_CLASSES = 16
_TOP_K = 8
_IN_DIM = _NUM_EXPERTS * _NUM_CLASSES
_BLOCK = 2048

_SC_INFO = plsc.get_sparse_core_info()
_NC = _SC_INFO.num_cores
_NS = _SC_INFO.num_subcores
_NW = _NC * _NS
_IDX_CHUNK = 128


def _gating_kernel(x_ref, w1_ref, b1_ref, w2_ref, b2_ref, w3_ref, b3_ref,
                   idx_ref, wts_ref):
    x = x_ref[...].reshape(_BLOCK, _IN_DIM)
    h = jnp.maximum(
        jnp.dot(x.astype(jnp.bfloat16), w1_ref[...].astype(jnp.bfloat16),
                preferred_element_type=jnp.float32)
        + b1_ref[...], 0.0)
    h = jnp.maximum(
        jnp.dot(h.astype(jnp.bfloat16), w2_ref[...].astype(jnp.bfloat16),
                preferred_element_type=jnp.float32)
        + b2_ref[...], 0.0)
    logits = (jnp.dot(h.astype(jnp.bfloat16), w3_ref[...].astype(jnp.bfloat16),
                      preferred_element_type=jnp.float32)
              + b3_ref[...])

    lane = lax.broadcasted_iota(jnp.int32, (_BLOCK, _NUM_EXPERTS), 1)
    ew = logits
    m = None
    idx_cols = []
    wts_cols = []
    for _ in range(_TOP_K):
        mx = jnp.max(ew, axis=1, keepdims=True)
        if m is None:
            m = mx
        hit = ew == mx
        idx_cols.append(jnp.max(jnp.where(hit, lane, -1), axis=1,
                                keepdims=True))
        wts_cols.append(jnp.exp(mx - m))
        ew = jnp.where(hit, -jnp.inf, ew)

    e_idx = jnp.concatenate(idx_cols, axis=1)
    wts = jnp.concatenate(wts_cols, axis=1)
    wts = wts / jnp.sum(wts, axis=1, keepdims=True)

    row = (pl.program_id(0) * _BLOCK
           + lax.broadcasted_iota(jnp.int32, (_BLOCK, _TOP_K), 0))
    idx_ref[...] = row * _NUM_EXPERTS + e_idx
    wts_ref[...] = wts


def _tc_gating(flat8, W1, b1, W2, b2, W3, b3):
    B = flat8.shape[0]
    full = lambda shape: pl.BlockSpec(shape, lambda i: (0,) * len(shape))
    return pl.pallas_call(
        _gating_kernel,
        grid=(B // _BLOCK,),
        in_specs=[
            pl.BlockSpec((_BLOCK, 8, 128), lambda i: (i, 0, 0)),
            full(W1.shape), full(b1.shape),
            full(W2.shape), full(b2.shape),
            full(W3.shape), full(b3.shape),
        ],
        out_specs=[
            pl.BlockSpec((_BLOCK, _TOP_K), lambda i: (i, 0)),
            pl.BlockSpec((_BLOCK, _TOP_K), lambda i: (i, 0)),
        ],
        out_shape=[
            jax.ShapeDtypeStruct((B, _TOP_K), jnp.int32),
            jax.ShapeDtypeStruct((B, _TOP_K), jnp.float32),
        ],
    )(flat8, W1, b1, W2, b2, W3, b3)


def _splat_lane(vec, lane):
    return lax.gather(
        vec,
        jnp.full((16, 1), lane, jnp.int32),
        lax.GatherDimensionNumbers(offset_dims=(),
                                   collapsed_slice_dims=(0,),
                                   start_index_map=(0,)),
        slice_sizes=(1,),
        mode=lax.GatherScatterMode.PROMISE_IN_BOUNDS,
    )


def _sc_combine(table, idx2d, wflat):
    B = wflat.shape[0] // _TOP_K
    rows_per_w = B // _NW
    g_per_w = rows_per_w * _TOP_K
    chunks = g_per_w // _IDX_CHUNK

    @functools.partial(
        pl.kernel,
        mesh=plsc.VectorSubcoreMesh(core_axis_name="c", subcore_axis_name="s"),
        compiler_params=pltpu.CompilerParams(use_tc_tiling_on_sc=False),
        out_type=jax.ShapeDtypeStruct((B, _NUM_CLASSES), jnp.float32),
        scratch_types=[
            pltpu.VMEM((chunks, _IDX_CHUNK), jnp.int32),
            pltpu.VMEM((g_per_w, _NUM_CLASSES), jnp.float32),
            pltpu.VMEM((g_per_w,), jnp.float32),
            pltpu.VMEM((rows_per_w, _NUM_CLASSES), jnp.float32),
            pltpu.SemaphoreType.DMA,
        ],
    )
    def kern(table_hbm, idx_hbm, w_hbm, out_hbm, idx_v, rows_v, w_v, out_v,
             sem):
        wid = lax.axis_index("s") * _NC + lax.axis_index("c")
        pltpu.sync_copy(idx_hbm.at[pl.ds(wid * chunks, chunks)], idx_v)
        pltpu.sync_copy(w_hbm.at[pl.ds(wid * g_per_w, g_per_w)], w_v)
        copies = []
        for c in range(chunks):
            copies.append(pltpu.async_copy(
                table_hbm.at[idx_v.at[c]],
                rows_v.at[pl.ds(c * _IDX_CHUNK, _IDX_CHUNK)],
                sem))
        for cp in copies:
            cp.wait()

        def body(p, _):
            wchunk = w_v[pl.ds(p * 16, 16)]
            for h in range(2):
                acc = jnp.zeros((_NUM_CLASSES,), jnp.float32)
                for k in range(_TOP_K):
                    ws = _splat_lane(wchunk, h * _TOP_K + k)
                    acc = acc + rows_v[p * 16 + h * _TOP_K + k] * ws
                out_v[2 * p + h] = acc
            return 0

        lax.fori_loop(0, rows_per_w // 2, body, 0)
        pltpu.sync_copy(out_v,
                        out_hbm.at[pl.ds(wid * rows_per_w, rows_per_w)])

    return kern(table, idx2d, wflat)


@jax.jit
def kernel(expert_probs, W1, b1, W2, b2, W3, b3):
    B = expert_probs.shape[0]
    flat8 = expert_probs.reshape(B, 8, 128)
    gidx, wts = _tc_gating(flat8, W1, b1, W2, b2, W3, b3)
    table = expert_probs.reshape(B * _NUM_EXPERTS, _NUM_CLASSES)
    idx2d = gidx.reshape(B * _TOP_K // _IDX_CHUNK, _IDX_CHUNK)
    return _sc_combine(table, idx2d, wts.reshape(B * _TOP_K))

# --- scband reference (transcript-rebuilt; emitter-appended) ---
"""Pipeline reference for scband-mixture-of-experts-34050500723197 (READ-ONLY COPY).

The authoritative reference and input builder live on the scoring server;
editing this copy changes nothing except your own understanding.
"""

import jax, jax.numpy as jnp
import numpy as np

BATCH = 16384
NUM_EXPERTS = 64
NUM_CLASSES = 16
TOP_K = 8
IN_DIM = NUM_EXPERTS * NUM_CLASSES  # 1024
H1 = 256
H2 = 128


def setup_inputs(seed: int = 0) -> dict:
    key = jax.random.key(seed)
    ks = jax.random.split(key, 8)
    expert_probs = jax.random.uniform(ks[0], (BATCH, NUM_EXPERTS, NUM_CLASSES), dtype=jnp.float32)
    expert_probs = expert_probs / jnp.sum(expert_probs, axis=-1, keepdims=True)
    W1 = jax.random.normal(ks[1], (IN_DIM, H1), dtype=jnp.float32) * (1.0 / np.sqrt(IN_DIM))
    b1 = jnp.zeros((H1,), dtype=jnp.float32)
    W2 = jax.random.normal(ks[2], (H1, H2), dtype=jnp.float32) * (1.0 / np.sqrt(H1))
    b2 = jnp.zeros((H2,), dtype=jnp.float32)
    W3 = jax.random.normal(ks[3], (H2, NUM_EXPERTS), dtype=jnp.float32) * (1.0 / np.sqrt(H2))
    b3 = jnp.zeros((NUM_EXPERTS,), dtype=jnp.float32)
    return {"expert_probs": expert_probs, "W1": W1, "b1": b1, "W2": W2, "b2": b2, "W3": W3, "b3": b3}


def reference(expert_probs, W1, b1, W2, b2, W3, b3):
    B = expert_probs.shape[0]
    flat = expert_probs.reshape(B, -1)
    # gating MLP (dropout is identity at inference)
    h = jnp.maximum(flat @ W1 + b1, 0.0)
    h = jnp.maximum(h @ W2 + b2, 0.0)
    gate_logits = h @ W3 + b3
    gate_scores = jax.nn.softmax(gate_logits, axis=1)
    top_k_values, top_k_indices = jax.lax.top_k(gate_scores, TOP_K)
    top_k_scores = top_k_values / jnp.sum(top_k_values, axis=1, keepdims=True)
    # gather selected experts' prob vectors: (B, TOP_K, NUM_CLASSES)
    sel = jnp.take_along_axis(expert_probs, top_k_indices[:, :, None], axis=1)
    final_probs = jnp.sum(top_k_scores[:, :, None] * sel, axis=1)
    return final_probs

if __name__ == "__main__":
    import jax
    _d = setup_inputs()
    print(jax.jit(kernel)(*tuple(_d.values())))

</pallas_src>

<mosaic_0001>
#map = affine_map<(d0, d1) -> (0, 0)>
#map1 = affine_map<(d0, d1) -> (0)>
module attributes {stable_mosaic.version = 14 : i64} {
  func.func @kern(%arg0: i32, %arg1: i32, %arg2: memref<1048576x16xf32, #tpu.memory_space<hbm>>, %arg3: memref<1024x128xi32, #tpu.memory_space<hbm>>, %arg4: memref<131072xf32, #tpu.memory_space<hbm>>, %arg5: memref<16384x16xf32, #tpu.memory_space<hbm>>, %arg6: memref<32x128xi32, #tpu.memory_space<vmem>>, %arg7: memref<4096x16xf32, #tpu.memory_space<vmem>>, %arg8: memref<4096xf32, #tpu.memory_space<vmem>>, %arg9: memref<512x16xf32, #tpu.memory_space<vmem>>, %arg10: memref<!tpu.dma_semaphore, #tpu.memory_space<semaphore_mem>>) attributes {dimension_semantics = [#tpu.dimension_semantics<core_parallel>, #tpu.dimension_semantics<subcore_parallel>], iteration_bounds = array<i64: 2, 16>, scalar_prefetch = 0 : i64, scratch_operands = 5 : i64, tpu.core_type = #tpu.core_type<sc_vector_subcore>, window_params = [{transform_indices = #map}, {transform_indices = #map}, {transform_indices = #map1}, {transform_indices = #map}]} {
    %mul3A = arith.constant 2 : i32
    %mul3A_0 = arith.muli %arg1, %mul3A : i32
    %add3A = arith.addi %mul3A_0, %arg0 : i32
    %mul3A_1 = arith.constant 32 : i32
    %mul3A_2 = arith.muli %add3A, %mul3A_1 : i32
    "tpu.region"() ({
      %run_scoped3A = tpu.sem_alloc : memref<!tpu.dma_semaphore, #tpu.memory_space<semaphore_mem>>
      %dma_start3A_651 = arith.constant 0 : i32
      %dma_start3A_652 = tpu.memref_slice %arg3[%mul3A_2, %dma_start3A_651] : memref<1024x128xi32, #tpu.memory_space<hbm>> -> memref<32x128xi32, #tpu.memory_space<hbm>>
      %dma_start3A_653 = arith.constant 0 : i32
      %dma_start3A_654 = tpu.memref_slice %arg3[%mul3A_2, %dma_start3A_653] : memref<1024x128xi32, #tpu.memory_space<hbm>> -> memref<32x128xi32, #tpu.memory_space<hbm>>
      tpu.enqueue_dma source(%dma_start3A_654 : memref<32x128xi32, #tpu.memory_space<hbm>>) target(%arg6 : memref<32x128xi32, #tpu.memory_space<vmem>>) target_semaphore(%run_scoped3A : memref<!tpu.dma_semaphore, #tpu.memory_space<semaphore_mem>>)
      %dma_wait3A_655 = arith.constant 0 : i32
      %dma_wait3A_656 = tpu.memref_slice %arg3[%mul3A_2, %dma_wait3A_655] : memref<1024x128xi32, #tpu.memory_space<hbm>> -> memref<32x128xi32, #tpu.memory_space<hbm>>
      %dma_wait3A_657 = arith.constant 0 : i32
      %dma_wait3A_658 = tpu.memref_slice %arg3[%mul3A_2, %dma_wait3A_657] : memref<1024x128xi32, #tpu.memory_space<hbm>> -> memref<32x128xi32, #tpu.memory_space<hbm>>
      tpu.wait_dma2 semaphore(%run_scoped3A : memref<!tpu.dma_semaphore, #tpu.memory_space<semaphore_mem>>) src(%dma_wait3A_658 : memref<32x128xi32, #tpu.memory_space<hbm>>) dst(%arg6 : memref<32x128xi32, #tpu.memory_space<vmem>>)
      tpu.yield
    }) : () -> ()
    %mul3A_3 = arith.constant 4096 : i32
    %mul3A_4 = arith.muli %add3A, %mul3A_3 : i32
    "tpu.region"() ({
      %run_scoped3A = tpu.sem_alloc : memref<!tpu.dma_semaphore, #tpu.memory_space<semaphore_mem>>
      %dma_start3A_651 = tpu.memref_slice %arg4[%mul3A_4] : memref<131072xf32, #tpu.memory_space<hbm>> -> memref<4096xf32, #tpu.memory_space<hbm>>
      %dma_start3A_652 = tpu.memref_slice %arg4[%mul3A_4] : memref<131072xf32, #tpu.memory_space<hbm>> -> memref<4096xf32, #tpu.memory_space<hbm>>
      tpu.enqueue_dma source(%dma_start3A_652 : memref<4096xf32, #tpu.memory_space<hbm>>) target(%arg8 : memref<4096xf32, #tpu.memory_space<vmem>>) target_semaphore(%run_scoped3A : memref<!tpu.dma_semaphore, #tpu.memory_space<semaphore_mem>>)
      %dma_wait3A_653 = tpu.memref_slice %arg4[%mul3A_4] : memref<131072xf32, #tpu.memory_space<hbm>> -> memref<4096xf32, #tpu.memory_space<hbm>>
      %dma_wait3A_654 = tpu.memref_slice %arg4[%mul3A_4] : memref<131072xf32, #tpu.memory_space<hbm>> -> memref<4096xf32, #tpu.memory_space<hbm>>
      tpu.wait_dma2 semaphore(%run_scoped3A : memref<!tpu.dma_semaphore, #tpu.memory_space<semaphore_mem>>) src(%dma_wait3A_654 : memref<4096xf32, #tpu.memory_space<hbm>>) dst(%arg8 : memref<4096xf32, #tpu.memory_space<vmem>>)
      tpu.yield
    }) : () -> ()
    %dma_start3A = arith.constant 0 : i32
    %dma_start3A_5 = arith.constant 0 : i32
    %dma_start3A_6 = arith.constant 0 : i32
    %dma_start3A_7 = tpu.memref_slice %arg7[%dma_start3A_5, %dma_start3A_6] : memref<4096x16xf32, #tpu.memory_space<vmem>> -> memref<128x16xf32, #tpu.memory_space<vmem>>
    %dma_start3A_8 = arith.constant 0 : i32
    %dma_start3A_9 = tpu.memref_slice %arg6[%dma_start3A, %dma_start3A_8] : memref<32x128xi32, #tpu.memory_space<vmem>> -> memref<1x128xi32, #tpu.memory_space<vmem>>
    %dma_start3A_10 = tpu.memref_squeeze %dma_start3A_9 : memref<1x128xi32, #tpu.memory_space<vmem>> -> memref<128xi32, #tpu.memory_space<vmem>>
    %dma_start3A_11 = arith.constant 0 : i32
    %dma_start3A_12 = arith.constant 0 : i32
    %dma_start3A_13 = tpu.memref_slice %arg2[%dma_start3A_11, %dma_start3A_12] : memref<1048576x16xf32, #tpu.memory_space<hbm>> -> memref<1048576x16xf32, #tpu.memory_space<hbm>>
    tpu.enqueue_indirect_dma source(%dma_start3A_13 : memref<1048576x16xf32, #tpu.memory_space<hbm>>) target(%dma_start3A_7 : memref<128x16xf32, #tpu.memory_space<vmem>>) offsets(%dma_start3A_10 : memref<128xi32, #tpu.memory_space<vmem>>) semaphore(%arg10 : memref<!tpu.dma_semaphore, #tpu.memory_space<semaphore_mem>>)
    %dma_start3A_14 = arith.constant 1 : i32
    %dma_start3A_15 = arith.constant 128 : i32
    %dma_start3A_16 = arith.constant 0 : i32
    %dma_start3A_17 = tpu.memref_slice %arg7[%dma_start3A_15, %dma_start3A_16] : memref<4096x16xf32, #tpu.memory_space<vmem>> -> memref<128x16xf32, #tpu.memory_space<vmem>>
    %dma_start3A_18 = arith.constant 0 : i32
    %dma_start3A_19 = tpu.memref_slice %arg6[%dma_start3A_14, %dma_start3A_18] : memref<32x128xi32, #tpu.memory_space<vmem>> -> memref<1x128xi32, #tpu.memory_space<vmem>>
    %dma_start3A_20 = tpu.memref_squeeze %dma_start3A_19 : memref<1x128xi32, #tpu.memory_space<vmem>> -> memref<128xi32, #tpu.memory_space<vmem>>
    %dma_start3A_21 = arith.constant 0 : i32
    %dma_start3A_22 = arith.constant 0 : i32
    %dma_start3A_23 = tpu.memref_slice %arg2[%dma_start3A_21, %dma_start3A_22] : memref<1048576x16xf32, #tpu.memory_space<hbm>> -> memref<1048576x16xf32, #tpu.memory_space<hbm>>
    tpu.enqueue_indirect_dma source(%dma_start3A_23 : memref<1048576x16xf32, #tpu.memory_space<hbm>>) target(%dma_start3A_17 : memref<128x16xf32, #tpu.memory_space<vmem>>) offsets(%dma_start3A_20 : memref<128xi32, #tpu.memory_space<vmem>>) semaphore(%arg10 : memref<!tpu.dma_semaphore, #tpu.memory_space<semaphore_mem>>)
    %dma_start3A_24 = arith.constant 2 : i32
    %dma_start3A_25 = arith.constant 256 : i32
    %dma_start3A_26 = arith.constant 0 : i32
    %dma_start3A_27 = tpu.memref_slice %arg7[%dma_start3A_25, %dma_start3A_26] : memref<4096x16xf32, #tpu.memory_space<vmem>> -> memref<128x16xf32, #tpu.memory_space<vmem>>
    %dma_start3A_28 = arith.constant 0 : i32
    %dma_start3A_29 = tpu.memref_slice %arg6[%dma_start3A_24, %dma_start3A_28] : memref<32x128xi32, #tpu.memory_space<vmem>> -> memref<1x128xi32, #tpu.memory_space<vmem>>
    %dma_start3A_30 = tpu.memref_squeeze %dma_start3A_29 : memref<1x128xi32, #tpu.memory_space<vmem>> -> memref<128xi32, #tpu.memory_space<vmem>>
    %dma_start3A_31 = arith.constant 0 : i32
    %dma_start3A_32 = arith.constant 0 : i32
    %dma_start3A_33 = tpu.memref_slice %arg2[%dma_start3A_31, %dma_start3A_32] : memref<1048576x16xf32, #tpu.memory_space<hbm>> -> memref<1048576x16xf32, #tpu.memory_space<hbm>>
    tpu.enqueue_indirect_dma source(%dma_start3A_33 : memref<1048576x16xf32, #tpu.memory_space<hbm>>) target(%dma_start3A_27 : memref<128x16xf32, #tpu.memory_space<vmem>>) offsets(%dma_start3A_30 : memref<128xi32, #tpu.memory_space<vmem>>) semaphore(%arg10 : memref<!tpu.dma_semaphore, #tpu.memory_space<semaphore_mem>>)
    %dma_start3A_34 = arith.constant 3 : i32
    %dma_start3A_35 = arith.constant 384 : i32
    %dma_start3A_36 = arith.constant 0 : i32
    %dma_start3A_37 = tpu.memref_slice %arg7[%dma_start3A_35, %dma_start3A_36] : memref<4096x16xf32, #tpu.memory_space<vmem>> -> memref<128x16xf32, #tpu.memory_space<vmem>>
    %dma_start3A_38 = arith.constant 0 : i32
    %dma_start3A_39 = tpu.memref_slice %arg6[%dma_start3A_34, %dma_start3A_38] : memref<32x128xi32, #tpu.memory_space<vmem>> -> memref<1x128xi32, #tpu.memory_space<vmem>>
    %dma_start3A_40 = tpu.memref_squeeze %dma_start3A_39 : memref<1x128xi32, #tpu.memory_space<vmem>> -> memref<128xi32, #tpu.memory_space<vmem>>
    %dma_start3A_41 = arith.constant 0 : i32
    %dma_start3A_42 = arith.constant 0 : i32
    %dma_start3A_43 = tpu.memref_slice %arg2[%dma_start3A_41, %dma_start3A_42] : memref<1048576x16xf32, #tpu.memory_space<hbm>> -> memref<1048576x16xf32, #tpu.memory_space<hbm>>
    tpu.enqueue_indirect_dma source(%dma_start3A_43 : memref<1048576x16xf32, #tpu.memory_space<hbm>>) target(%dma_start3A_37 : memref<128x16xf32, #tpu.memory_space<vmem>>) offsets(%dma_start3A_40 : memref<128xi32, #tpu.memory_space<vmem>>) semaphore(%arg10 : memref<!tpu.dma_semaphore, #tpu.memory_space<semaphore_mem>>)
    %dma_start3A_44 = arith.constant 4 : i32
    %dma_start3A_45 = arith.constant 512 : i32
    %dma_start3A_46 = arith.constant 0 : i32
    %dma_start3A_47 = tpu.memref_slice %arg7[%dma_start3A_45, %dma_start3A_46] : memref<4096x16xf32, #tpu.memory_space<vmem>> -> memref<128x16xf32, #tpu.memory_space<vmem>>
    %dma_start3A_48 = arith.constant 0 : i32
    %dma_start3A_49 = tpu.memref_slice %arg6[%dma_start3A_44, %dma_start3A_48] : memref<32x128xi32, #tpu.memory_space<vmem>> -> memref<1x128xi32, #tpu.memory_space<vmem>>
    %dma_start3A_50 = tpu.memref_squeeze %dma_start3A_49 : memref<1x128xi32, #tpu.memory_space<vmem>> -> memref<128xi32, #tpu.memory_space<vmem>>
    %dma_start3A_51 = arith.constant 0 : i32
    %dma_start3A_52 = arith.constant 0 : i32
    %dma_start3A_53 = tpu.memref_slice %arg2[%dma_start3A_51, %dma_start3A_52] : memref<1048576x16xf32, #tpu.memory_space<hbm>> -> memref<1048576x16xf32, #tpu.memory_space<hbm>>
    tpu.enqueue_indirect_dma source(%dma_start3A_53 : memref<1048576x16xf32, #tpu.memory_space<hbm>>) target(%dma_start3A_47 : memref<128x16xf32, #tpu.memory_space<vmem>>) offsets(%dma_start3A_50 : memref<128xi32, #tpu.memory_space<vmem>>) semaphore(%arg10 : memref<!tpu.dma_semaphore, #tpu.memory_space<semaphore_mem>>)
    %dma_start3A_54 = arith.constant 5 : i32
    %dma_start3A_55 = arith.constant 640 : i32
    %dma_start3A_56 = arith.constant 0 : i32
    %dma_start3A_57 = tpu.memref_slice %arg7[%dma_start3A_55, %dma_start3A_56] : memref<4096x16xf32, #tpu.memory_space<vmem>> -> memref<128x16xf32, #tpu.memory_space<vmem>>
    %dma_start3A_58 = arith.constant 0 : i32
    %dma_start3A_59 = tpu.memref_slice %arg6[%dma_start3A_54, %dma_start3A_58] : memref<32x128xi32, #tpu.memory_space<vmem>> -> memref<1x128xi32, #tpu.memory_space<vmem>>
    %dma_start3A_60 = tpu.memref_squeeze %dma_start3A_59 : memref<1x128xi32, #tpu.memory_space<vmem>> -> memref<128xi32, #tpu.memory_space<vmem>>
    %dma_start3A_61 = arith.constant 0 : i32
    %dma_start3A_62 = arith.constant 0 : i32
    %dma_start3A_63 = tpu.memref_slice %arg2[%dma_start3A_61, %dma_start3A_62] : memref<1048576x16xf32, #tpu.memory_space<hbm>> -> memref<1048576x16xf32, #tpu.memory_space<hbm>>
    tpu.enqueue_indirect_dma source(%dma_start3A_63 : memref<1048576x16xf32, #tpu.memory_space<hbm>>) target(%dma_start3A_57 : memref<128x16xf32, #tpu.memory_space<vmem>>) offsets(%dma_start3A_60 : memref<128xi32, #tpu.memory_space<vmem>>) semaphore(%arg10 : memref<!tpu.dma_semaphore, #tpu.memory_space<semaphore_mem>>)
    %dma_start3A_64 = arith.constant 6 : i32
    %dma_start3A_65 = arith.constant 768 : i32
    %dma_start3A_66 = arith.constant 0 : i32
    %dma_start3A_67 = tpu.memref_slice %arg7[%dma_start3A_65, %dma_start3A_66] : memref<4096x16xf32, #tpu.memory_space<vmem>> -> memref<128x16xf32, #tpu.memory_space<vmem>>
    %dma_start3A_68 = arith.constant 0 : i32
    %dma_start3A_69 = tpu.memref_slice %arg6[%dma_start3A_64, %dma_start3A_68] : memref<32x128xi32, #tpu.memory_space<vmem>> -> memref<1x128xi32, #tpu.memory_space<vmem>>
    %dma_start3A_70 = tpu.memref_squeeze %dma_start3A_69 : memref<1x128xi32, #tpu.memory_space<vmem>> -> memref<128xi32, #tpu.memory_space<vmem>>
    %dma_start3A_71 = arith.constant 0 : i32
    %dma_start3A_72 = arith.constant 0 : i32
    %dma_start3A_73 = tpu.memref_slice %arg2[%dma_start3A_71, %dma_start3A_72] : memref<1048576x16xf32, #tpu.memory_space<hbm>> -> memref<1048576x16xf32, #tpu.memory_space<hbm>>
    tpu.enqueue_indirect_dma source(%dma_start3A_73 : memref<1048576x16xf32, #tpu.memory_space<hbm>>) target(%dma_start3A_67 : memref<128x16xf32, #tpu.memory_space<vmem>>) offsets(%dma_start3A_70 : memref<128xi32, #tpu.memory_space<vmem>>) semaphore(%arg10 : memref<!tpu.dma_semaphore, #tpu.memory_space<semaphore_mem>>)
    %dma_start3A_74 = arith.constant 7 : i32
    %dma_start3A_75 = arith.constant 896 : i32
    %dma_start3A_76 = arith.constant 0 : i32
    %dma_start3A_77 = tpu.memref_slice %arg7[%dma_start3A_75, %dma_start3A_76] : memref<4096x16xf32, #tpu.memory_space<vmem>> -> memref<128x16xf32, #tpu.memory_space<vmem>>
    %dma_start3A_78 = arith.constant 0 : i32
    %dma_start3A_79 = tpu.memref_slice %arg6[%dma_start3A_74, %dma_start3A_78] : memref<32x128xi32, #tpu.memory_space<vmem>> -> memref<1x128xi32, #tpu.memory_space<vmem>>
    %dma_start3A_80 = tpu.memref_squeeze %dma_start3A_79 : memref<1x128xi32, #tpu.memory_space<vmem>> -> memref<128xi32, #tpu.memory_space<vmem>>
    %dma_start3A_81 = arith.constant 0 : i32
    %dma_start3A_82 = arith.constant 0 : i32
    %dma_start3A_83 = tpu.memref_slice %arg2[%dma_start3A_81, %dma_start3A_82] : memref<1048576x16xf32, #tpu.memory_space<hbm>> -> memref<1048576x16xf32, #tpu.memory_space<hbm>>
    tpu.enqueue_indirect_dma source(%dma_start3A_83 : memref<1048576x16xf32, #tpu.memory_space<hbm>>) target(%dma_start3A_77 : memref<128x16xf32, #tpu.memory_space<vmem>>) offsets(%dma_start3A_80 : memref<128xi32, #tpu.memory_space<vmem>>) semaphore(%arg10 : memref<!tpu.dma_semaphore, #tpu.memory_space<semaphore_mem>>)
    %dma_start3A_84 = arith.constant 8 : i32
    %dma_start3A_85 = arith.constant 1024 : i32
    %dma_start3A_86 = arith.constant 0 : i32
    %dma_start3A_87 = tpu.memref_slice %arg7[%dma_start3A_85, %dma_start3A_86] : memref<4096x16xf32, #tpu.memory_space<vmem>> -> memref<128x16xf32, #tpu.memory_space<vmem>>
    %dma_start3A_88 = arith.constant 0 : i32
    %dma_start3A_89 = tpu.memref_slice %arg6[%dma_start3A_84, %dma_start3A_88] : memref<32x128xi32, #tpu.memory_space<vmem>> -> memref<1x128xi32, #tpu.memory_space<vmem>>
    %dma_start3A_90 = tpu.memref_squeeze %dma_start3A_89 : memref<1x128xi32, #tpu.memory_space<vmem>> -> memref<128xi32, #tpu.memory_space<vmem>>
    %dma_start3A_91 = arith.constant 0 : i32
    %dma_start3A_92 = arith.constant 0 : i32
    %dma_start3A_93 = tpu.memref_slice %arg2[%dma_start3A_91, %dma_start3A_92] : memref<1048576x16xf32, #tpu.memory_space<hbm>> -> memref<1048576x16xf32, #tpu.memory_space<hbm>>
    tpu.enqueue_indirect_dma source(%dma_start3A_93 : memref<1048576x16xf32, #tpu.memory_space<hbm>>) target(%dma_start3A_87 : memref<128x16xf32, #tpu.memory_space<vmem>>) offsets(%dma_start3A_90 : memref<128xi32, #tpu.memory_space<vmem>>) semaphore(%arg10 : memref<!tpu.dma_semaphore, #tpu.memory_space<semaphore_mem>>)
    %dma_start3A_94 = arith.constant 9 : i32
    %dma_start3A_95 = arith.constant 1152 : i32
    %dma_start3A_96 = arith.constant 0 : i32
    %dma_start3A_97 = tpu.memref_slice %arg7[%dma_start3A_95, %dma_start3A_96] : memref<4096x16xf32, #tpu.memory_space<vmem>> -> memref<128x16xf32, #tpu.memory_space<vmem>>
    %dma_start3A_98 = arith.constant 0 : i32
    %dma_start3A_99 = tpu.memref_slice %arg6[%dma_start3A_94, %dma_start3A_98] : memref<32x128xi32, #tpu.memory_space<vmem>> -> memref<1x128xi32, #tpu.memory_space<vmem>>
    %dma_start3A_100 = tpu.memref_squeeze %dma_start3A_99 : memref<1x128xi32, #tpu.memory_space<vmem>> -> memref<128xi32, #tpu.memory_space<vmem>>
    %dma_start3A_101 = arith.constant 0 : i32
    %dma_start3A_102 = arith.constant 0 : i32
    %dma_start3A_103 = tpu.memref_slice %arg2[%dma_start3A_101, %dma_start3A_102] : memref<1048576x16xf32, #tpu.memory_space<hbm>> -> memref<1048576x16xf32, #tpu.memory_space<hbm>>
    tpu.enqueue_indirect_dma source(%dma_start3A_103 : memref<1048576x16xf32, #tpu.memory_space<hbm>>) target(%dma_start3A_97 : memref<128x16xf32, #tpu.memory_space<vmem>>) offsets(%dma_start3A_100 : memref<128xi32, #tpu.memory_space<vmem>>) semaphore(%arg10 : memref<!tpu.dma_semaphore, #tpu.memory_space<semaphore_mem>>)
    %dma_start3A_104 = arith.constant 10 : i32
    %dma_start3A_105 = arith.constant 1280 : i32
    %dma_start3A_106 = arith.constant 0 : i32
    %dma_start3A_107 = tpu.memref_slice %arg7[%dma_start3A_105, %dma_start3A_106] : memref<4096x16xf32, #tpu.memory_space<vmem>> -> memref<128x16xf32, #tpu.memory_space<vmem>>
    %dma_start3A_108 = arith.constant 0 : i32
    %dma_start3A_109 = tpu.memref_slice %arg6[%dma_start3A_104, %dma_start3A_108] : memref<32x128xi32, #tpu.memory_space<vmem>> -> memref<1x128xi32, #tpu.memory_space<vmem>>
    %dma_start3A_110 = tpu.memref_squeeze %dma_start3A_109 : memref<1x128xi32, #tpu.memory_space<vmem>> -> memref<128xi32, #tpu.memory_space<vmem>>
    %dma_start3A_111 = arith.constant 0 : i32
    %dma_start3A_112 = arith.constant 0 : i32
    %dma_start3A_113 = tpu.memref_slice %arg2[%dma_start3A_111, %dma_start3A_112] : memref<1048576x16xf32, #tpu.memory_space<hbm>> -> memref<1048576x16xf32, #tpu.memory_space<hbm>>
    tpu.enqueue_indirect_dma source(%dma_start3A_113 : memref<1048576x16xf32, #tpu.memory_space<hbm>>) target(%dma_start3A_107 : memref<128x16xf32, #tpu.memory_space<vmem>>) offsets(%dma_start3A_110 : memref<128xi32, #tpu.memory_space<vmem>>) semaphore(%arg10 : memref<!tpu.dma_semaphore, #tpu.memory_space<semaphore_mem>>)
    %dma_start3A_114 = arith.constant 11 : i32
    %dma_start3A_115 = arith.constant 1408 : i32
    %dma_start3A_116 = arith.constant 0 : i32
    %dma_start3A_117 = tpu.memref_slice %arg7[%dma_start3A_115, %dma_start3A_116] : memref<4096x16xf32, #tpu.memory_space<vmem>> -> memref<128x16xf32, #tpu.memory_space<vmem>>
    %dma_start3A_118 = arith.constant 0 : i32
    %dma_start3A_119 = tpu.memref_slice %arg6[%dma_start3A_114, %dma_start3A_118] : memref<32x128xi32, #tpu.memory_space<vmem>> -> memref<1x128xi32, #tpu.memory_space<vmem>>
    %dma_start3A_120 = tpu.memref_squeeze %dma_start3A_119 : memref<1x128xi32, #tpu.memory_space<vmem>> -> memref<128xi32, #tpu.memory_space<vmem>>
    %dma_start3A_121 = arith.constant 0 : i32
    %dma_start3A_122 = arith.constant 0 : i32
    %dma_start3A_123 = tpu.memref_slice %arg2[%dma_start3A_121, %dma_start3A_122] : memref<1048576x16xf32, #tpu.memory_space<hbm>> -> memref<1048576x16xf32, #tpu.memory_space<hbm>>
    tpu.enqueue_indirect_dma source(%dma_start3A_123 : memref<1048576x16xf32, #tpu.memory_space<hbm>>) target(%dma_start3A_117 : memref<128x16xf32, #tpu.memory_space<vmem>>) offsets(%dma_start3A_120 : memref<128xi32, #tpu.memory_space<vmem>>) semaphore(%arg10 : memref<!tpu.dma_semaphore, #tpu.memory_space<semaphore_mem>>)
    %dma_start3A_124 = arith.constant 12 : i32
    %dma_start3A_125 = arith.constant 1536 : i32
    %dma_start3A_126 = arith.constant 0 : i32
    %dma_start3A_127 = tpu.memref_slice %arg7[%dma_start3A_125, %dma_start3A_126] : memref<4096x16xf32, #tpu.memory_space<vmem>> -> memref<128x16xf32, #tpu.memory_space<vmem>>
    %dma_start3A_128 = arith.constant 0 : i32
    %dma_start3A_129 = tpu.memref_slice %arg6[%dma_start3A_124, %dma_start3A_128] : memref<32x128xi32, #tpu.memory_space<vmem>> -> memref<1x128xi32, #tpu.memory_space<vmem>>
    %dma_start3A_130 = tpu.memref_squeeze %dma_start3A_129 : memref<1x128xi32, #tpu.memory_space<vmem>> -> memref<128xi32, #tpu.memory_space<vmem>>
    %dma_start3A_131 = arith.constant 0 : i32
    %dma_start3A_132 = arith.constant 0 : i32
    %dma_start3A_133 = tpu.memref_slice %arg2[%dma_start3A_131, %dma_start3A_132] : memref<1048576x16xf32, #tpu.memory_space<hbm>> -> memref<1048576x16xf32, #tpu.memory_space<hbm>>
    tpu.enqueue_indirect_dma source(%dma_start3A_133 : memref<1048576x16xf32, #tpu.memory_space<hbm>>) target(%dma_start3A_127 : memref<128x16xf32, #tpu.memory_space<vmem>>) offsets(%dma_start3A_130 : memref<128xi32, #tpu.memory_space<vmem>>) semaphore(%arg10 : memref<!tpu.dma_semaphore, #tpu.memory_space<semaphore_mem>>)
    %dma_start3A_134 = arith.constant 13 : i32
    %dma_start3A_135 = arith.constant 1664 : i32
    %dma_start3A_136 = arith.constant 0 : i32
    %dma_start3A_137 = tpu.memref_slice %arg7[%dma_start3A_135, %dma_start3A_136] : memref<4096x16xf32, #tpu.memory_space<vmem>> -> memref<128x16xf32, #tpu.memory_space<vmem>>
    %dma_start3A_138 = arith.constant 0 : i32
    %dma_start3A_139 = tpu.memref_slice %arg6[%dma_start3A_134, %dma_start3A_138] : memref<32x128xi32, #tpu.memory_space<vmem>> -> memref<1x128xi32, #tpu.memory_space<vmem>>
    %dma_start3A_140 = tpu.memref_squeeze %dma_start3A_139 : memref<1x128xi32, #tpu.memory_space<vmem>> -> memref<128xi32, #tpu.memory_space<vmem>>
    %dma_start3A_141 = arith.constant 0 : i32
    %dma_start3A_142 = arith.constant 0 : i32
    %dma_start3A_143 = tpu.memref_slice %arg2[%dma_start3A_141, %dma_start3A_142] : memref<1048576x16xf32, #tpu.memory_space<hbm>> -> memref<1048576x16xf32, #tpu.memory_space<hbm>>
    tpu.enqueue_indirect_dma source(%dma_start3A_143 : memref<1048576x16xf32, #tpu.memory_space<hbm>>) target(%dma_start3A_137 : memref<128x16xf32, #tpu.memory_space<vmem>>) offsets(%dma_start3A_140 : memref<128xi32, #tpu.memory_space<vmem>>) semaphore(%arg10 : memref<!tpu.dma_semaphore, #tpu.memory_space<semaphore_mem>>)
    %dma_start3A_144 = arith.constant 14 : i32
    %dma_start3A_145 = arith.constant 1792 : i32
    %dma_start3A_146 = arith.constant 0 : i32
    %dma_start3A_147 = tpu.memref_slice %arg7[%dma_start3A_145, %dma_start3A_146] : memref<4096x16xf32, #tpu.memory_space<vmem>> -> memref<128x16xf32, #tpu.memory_space<vmem>>
    %dma_start3A_148 = arith.constant 0 : i32
    %dma_start3A_149 = tpu.memref_slice %arg6[%dma_start3A_144, %dma_start3A_148] : memref<32x128xi32, #tpu.memory_space<vmem>> -> memref<1x128xi32, #tpu.memory_space<vmem>>
    %dma_start3A_150 = tpu.memref_squeeze %dma_start3A_149 : memref<1x128xi32, #tpu.memory_space<vmem>> -> memref<128xi32, #tpu.memory_space<vmem>>
    %dma_start3A_151 = arith.constant 0 : i32
    %dma_start3A_152 = arith.constant 0 : i32
    %dma_start3A_153 = tpu.memref_slice %arg2[%dma_start3A_151, %dma_start3A_152] : memref<1048576x16xf32, #tpu.memory_space<hbm>> -> memref<1048576x16xf32, #tpu.memory_space<hbm>>
    tpu.enqueue_indirect_dma source(%dma_start3A_153 : memref<1048576x16xf32, #tpu.memory_space<hbm>>) target(%dma_start3A_147 : memref<128x16xf32, #tpu.memory_space<vmem>>) offsets(%dma_start3A_150 : memref<128xi32, #tpu.memory_space<vmem>>) semaphore(%arg10 : memref<!tpu.dma_semaphore, #tpu.memory_space<semaphore_mem>>)
    %dma_start3A_154 = arith.constant 15 : i32
    %dma_start3A_155 = arith.constant 1920 : i32
    %dma_start3A_156 = arith.constant 0 : i32
    %dma_start3A_157 = tpu.memref_slice %arg7[%dma_start3A_155, %dma_start3A_156] : memref<4096x16xf32, #tpu.memory_space<vmem>> -> memref<128x16xf32, #tpu.memory_space<vmem>>
    %dma_start3A_158 = arith.constant 0 : i32
    %dma_start3A_159 = tpu.memref_slice %arg6[%dma_start3A_154, %dma_start3A_158] : memref<32x128xi32, #tpu.memory_space<vmem>> -> memref<1x128xi32, #tpu.memory_space<vmem>>
    %dma_start3A_160 = tpu.memref_squeeze %dma_start3A_159 : memref<1x128xi32, #tpu.memory_space<vmem>> -> memref<128xi32, #tpu.memory_space<vmem>>
    %dma_start3A_161 = arith.constant 0 : i32
    %dma_start3A_162 = arith.constant 0 : i32
    %dma_start3A_163 = tpu.memref_slice %arg2[%dma_start3A_161, %dma_start3A_162] : memref<1048576x16xf32, #tpu.memory_space<hbm>> -> memref<1048576x16xf32, #tpu.memory_space<hbm>>
    tpu.enqueue_indirect_dma source(%dma_start3A_163 : memref<1048576x16xf32, #tpu.memory_space<hbm>>) target(%dma_start3A_157 : memref<128x16xf32, #tpu.memory_space<vmem>>) offsets(%dma_start3A_160 : memref<128xi32, #tpu.memory_space<vmem>>) semaphore(%arg10 : memref<!tpu.dma_semaphore, #tpu.memory_space<semaphore_mem>>)
    %dma_start3A_164 = arith.constant 16 : i32
    %dma_start3A_165 = arith.constant 2048 : i32
    %dma_start3A_166 = arith.constant 0 : i32
    %dma_start3A_167 = tpu.memref_slice %arg7[%dma_start3A_165, %dma_start3A_166] : memref<4096x16xf32, #tpu.memory_space<vmem>> -> memref<128x16xf32, #tpu.memory_space<vmem>>
    %dma_start3A_168 = arith.constant 0 : i32
    %dma_start3A_169 = tpu.memref_slice %arg6[%dma_start3A_164, %dma_start3A_168] : memref<32x128xi32, #tpu.memory_space<vmem>> -> memref<1x128xi32, #tpu.memory_space<vmem>>
    %dma_start3A_170 = tpu.memref_squeeze %dma_start3A_169 : memref<1x128xi32, #tpu.memory_space<vmem>> -> memref<128xi32, #tpu.memory_space<vmem>>
    %dma_start3A_171 = arith.constant 0 : i32
    %dma_start3A_172 = arith.constant 0 : i32
    %dma_start3A_173 = tpu.memref_slice %arg2[%dma_start3A_171, %dma_start3A_172] : memref<1048576x16xf32, #tpu.memory_space<hbm>> -> memref<1048576x16xf32, #tpu.memory_space<hbm>>
    tpu.enqueue_indirect_dma source(%dma_start3A_173 : memref<1048576x16xf32, #tpu.memory_space<hbm>>) target(%dma_start3A_167 : memref<128x16xf32, #tpu.memory_space<vmem>>) offsets(%dma_start3A_170 : memref<128xi32, #tpu.memory_space<vmem>>) semaphore(%arg10 : memref<!tpu.dma_semaphore, #tpu.memory_space<semaphore_mem>>)
    %dma_start3A_174 = arith.constant 17 : i32
    %dma_start3A_175 = arith.constant 2176 : i32
    %dma_start3A_176 = arith.constant 0 : i32
    %dma_start3A_177 = tpu.memref_slice %arg7[%dma_start3A_175, %dma_start3A_176] : memref<4096x16xf32, #tpu.memory_space<vmem>> -> memref<128x16xf32, #tpu.memory_space<vmem>>
    %dma_start3A_178 = arith.constant 0 : i32
    %dma_start3A_179 = tpu.memref_slice %arg6[%dma_start3A_174, %dma_start3A_178] : memref<32x128xi32, #tpu.memory_space<vmem>> -> memref<1x128xi32, #tpu.memory_space<vmem>>
    %dma_start3A_180 = tpu.memref_squeeze %dma_start3A_179 : memref<1x128xi32, #tpu.memory_space<vmem>> -> memref<128xi32, #tpu.memory_space<vmem>>
    %dma_start3A_181 = arith.constant 0 : i32
    %dma_start3A_182 = arith.constant 0 : i32
    %dma_start3A_183 = tpu.memref_slice %arg2[%dma_start3A_181, %dma_start3A_182] : memref<1048576x16xf32, #tpu.memory_space<hbm>> -> memref<1048576x16xf32, #tpu.memory_space<hbm>>
    tpu.enqueue_indirect_dma source(%dma_start3A_183 : memref<1048576x16xf32, #tpu.memory_space<hbm>>) target(%dma_start3A_177 : memref<128x16xf32, #tpu.memory_space<vmem>>) offsets(%dma_start3A_180 : memref<128xi32, #tpu.memory_space<vmem>>) semaphore(%arg10 : memref<!tpu.dma_semaphore, #tpu.memory_space<semaphore_mem>>)
    %dma_start3A_184 = arith.constant 18 : i32
    %dma_start3A_185 = arith.constant 2304 : i32
    %dma_start3A_186 = arith.constant 0 : i32
    %dma_start3A_187 = tpu.memref_slice %arg7[%dma_start3A_185, %dma_start3A_186] : memref<4096x16xf32, #tpu.memory_space<vmem>> -> memref<128x16xf32, #tpu.memory_space<vmem>>
    %dma_start3A_188 = arith.constant 0 : i32
    %dma_start3A_189 = tpu.memref_slice %arg6[%dma_start3A_184, %dma_start3A_188] : memref<32x128xi32, #tpu.memory_space<vmem>> -> memref<1x128xi32, #tpu.memory_space<vmem>>
    %dma_start3A_190 = tpu.memref_squeeze %dma_start3A_189 : memref<1x128xi32, #tpu.memory_space<vmem>> -> memref<128xi32, #tpu.memory_space<vmem>>
    %dma_start3A_191 = arith.constant 0 : i32
    %dma_start3A_192 = arith.constant 0 : i32
    %dma_start3A_193 = tpu.memref_slice %arg2[%dma_start3A_191, %dma_start3A_192] : memref<1048576x16xf32, #tpu.memory_space<hbm>> -> memref<1048576x16xf32, #tpu.memory_space<hbm>>
    tpu.enqueue_indirect_dma source(%dma_start3A_193 : memref<1048576x16xf32, #tpu.memory_space<hbm>>) target(%dma_start3A_187 : memref<128x16xf32, #tpu.memory_space<vmem>>) offsets(%dma_start3A_190 : memref<128xi32, #tpu.memory_space<vmem>>) semaphore(%arg10 : memref<!tpu.dma_semaphore, #tpu.memory_space<semaphore_mem>>)
    %dma_start3A_194 = arith.constant 19 : i32
    %dma_start3A_195 = arith.constant 2432 : i32
    %dma_start3A_196 = arith.constant 0 : i32
    %dma_start3A_197 = tpu.memref_slice %arg7[%dma_start3A_195, %dma_start3A_196] : memref<4096x16xf32, #tpu.memory_space<vmem>> -> memref<128x16xf32, #tpu.memory_space<vmem>>
    %dma_start3A_198 = arith.constant 0 : i32
    %dma_start3A_199 = tpu.memref_slice %arg6[%dma_start3A_194, %dma_start3A_198] : memref<32x128xi32, #tpu.memory_space<vmem>> -> memref<1x128xi32, #tpu.memory_space<vmem>>
    %dma_start3A_200 = tpu.memref_squeeze %dma_start3A_199 : memref<1x128xi32, #tpu.memory_space<vmem>> -> memref<128xi32, #tpu.memory_space<vmem>>
    %dma_start3A_201 = arith.constant 0 : i32
    %dma_start3A_202 = arith.constant 0 : i32
    %dma_start3A_203 = tpu.memref_slice %arg2[%dma_start3A_201, %dma_start3A_202] : memref<1048576x16xf32, #tpu.memory_space<hbm>> -> memref<1048576x16xf32, #tpu.memory_space<hbm>>
    tpu.enqueue_indirect_dma source(%dma_start3A_203 : memref<1048576x16xf32, #tpu.memory_space<hbm>>) target(%dma_start3A_197 : memref<128x16xf32, #tpu.memory_space<vmem>>) offsets(%dma_start3A_200 : memref<128xi32, #tpu.memory_space<vmem>>) semaphore(%arg10 : memref<!tpu.dma_semaphore, #tpu.memory_space<semaphore_mem>>)
    %dma_start3A_204 = arith.constant 20 : i32
    %dma_start3A_205 = arith.constant 2560 : i32
    %dma_start3A_206 = arith.constant 0 : i32
    %dma_start3A_207 = tpu.memref_slice %arg7[%dma_start3A_205, %dma_start3A_206] : memref<4096x16xf32, #tpu.memory_space<vmem>> -> memref<128x16xf32, #tpu.memory_space<vmem>>
    %dma_start3A_208 = arith.constant 0 : i32
    %dma_start3A_209 = tpu.memref_slice %arg6[%dma_start3A_204, %dma_start3A_208] : memref<32x128xi32, #tpu.memory_space<vmem>> -> memref<1x128xi32, #tpu.memory_space<vmem>>
    %dma_start3A_210 = tpu.memref_squeeze %dma_start3A_209 : memref<1x128xi32, #tpu.memory_space<vmem>> -> memref<128xi32, #tpu.memory_space<vmem>>
    %dma_start3A_211 = arith.constant 0 : i32
    %dma_start3A_212 = arith.constant 0 : i32
    %dma_start3A_213 = tpu.memref_slice %arg2[%dma_start3A_211, %dma_start3A_212] : memref<1048576x16xf32, #tpu.memory_space<hbm>> -> memref<1048576x16xf32, #tpu.memory_space<hbm>>
    tpu.enqueue_indirect_dma source(%dma_start3A_213 : memref<1048576x16xf32, #tpu.memory_space<hbm>>) target(%dma_start3A_207 : memref<128x16xf32, #tpu.memory_space<vmem>>) offsets(%dma_start3A_210 : memref<128xi32, #tpu.memory_space<vmem>>) semaphore(%arg10 : memref<!tpu.dma_semaphore, #tpu.memory_space<semaphore_mem>>)
    %dma_start3A_214 = arith.constant 21 : i32
    %dma_start3A_215 = arith.constant 2688 : i32
    %dma_start3A_216 = arith.constant 0 : i32
    %dma_start3A_217 = tpu.memref_slice %arg7[%dma_start3A_215, %dma_start3A_216] : memref<4096x16xf32, #tpu.memory_space<vmem>> -> memref<128x16xf32, #tpu.memory_space<vmem>>
    %dma_start3A_218 = arith.constant 0 : i32
    %dma_start3A_219 = tpu.memref_slice %arg6[%dma_start3A_214, %dma_start3A_218] : memref<32x128xi32, #tpu.memory_space<vmem>> -> memref<1x128xi32, #tpu.memory_space<vmem>>
    %dma_start3A_220 = tpu.memref_squeeze %dma_start3A_219 : memref<1x128xi32, #tpu.memory_space<vmem>> -> memref<128xi32, #tpu.memory_space<vmem>>
    %dma_start3A_221 = arith.constant 0 : i32
    %dma_start3A_222 = arith.constant 0 : i32
    %dma_start3A_223 = tpu.memref_slice %arg2[%dma_start3A_221, %dma_start3A_222] : memref<1048576x16xf32, #tpu.memory_space<hbm>> -> memref<1048576x16xf32, #tpu.memory_space<hbm>>
    tpu.enqueue_indirect_dma source(%dma_start3A_223 : memref<1048576x16xf32, #tpu.memory_space<hbm>>) target(%dma_start3A_217 : memref<128x16xf32, #tpu.memory_space<vmem>>) offsets(%dma_start3A_220 : memref<128xi32, #tpu.memory_space<vmem>>) semaphore(%arg10 : memref<!tpu.dma_semaphore, #tpu.memory_space<semaphore_mem>>)
    %dma_start3A_224 = arith.constant 22 : i32
    %dma_start3A_225 = arith.constant 2816 : i32
    %dma_start3A_226 = arith.constant 0 : i32
    %dma_start3A_227 = tpu.memref_slice %arg7[%dma_start3A_225, %dma_start3A_226] : memref<4096x16xf32, #tpu.memory_space<vmem>> -> memref<128x16xf32, #tpu.memory_space<vmem>>
    %dma_start3A_228 = arith.constant 0 : i32
    %dma_start3A_229 = tpu.memref_slice %arg6[%dma_start3A_224, %dma_start3A_228] : memref<32x128xi32, #tpu.memory_space<vmem>> -> memref<1x128xi32, #tpu.memory_space<vmem>>
    %dma_start3A_230 = tpu.memref_squeeze %dma_start3A_229 : memref<1x128xi32, #tpu.memory_space<vmem>> -> memref<128xi32, #tpu.memory_space<vmem>>
    %dma_start3A_231 = arith.constant 0 : i32
    %dma_start3A_232 = arith.constant 0 : i32
    %dma_start3A_233 = tpu.memref_slice %arg2[%dma_start3A_231, %dma_start3A_232] : memref<1048576x16xf32, #tpu.memory_space<hbm>> -> memref<1048576x16xf32, #tpu.memory_space<hbm>>
    tpu.enqueue_indirect_dma source(%dma_start3A_233 : memref<1048576x16xf32, #tpu.memory_space<hbm>>) target(%dma_start3A_227 : memref<128x16xf32, #tpu.memory_space<vmem>>) offsets(%dma_start3A_230 : memref<128xi32, #tpu.memory_space<vmem>>) semaphore(%arg10 : memref<!tpu.dma_semaphore, #tpu.memory_space<semaphore_mem>>)
    %dma_start3A_234 = arith.constant 23 : i32
    %dma_start3A_235 = arith.constant 2944 : i32
    %dma_start3A_236 = arith.constant 0 : i32
    %dma_start3A_237 = tpu.memref_slice %arg7[%dma_start3A_235, %dma_start3A_236] : memref<4096x16xf32, #tpu.memory_space<vmem>> -> memref<128x16xf32, #tpu.memory_space<vmem>>
    %dma_start3A_238 = arith.constant 0 : i32
    %dma_start3A_239 = tpu.memref_slice %arg6[%dma_start3A_234, %dma_start3A_238] : memref<32x128xi32, #tpu.memory_space<vmem>> -> memref<1x128xi32, #tpu.memory_space<vmem>>
    %dma_start3A_240 = tpu.memref_squeeze %dma_start3A_239 : memref<1x128xi32, #tpu.memory_space<vmem>> -> memref<128xi32, #tpu.memory_space<vmem>>
    %dma_start3A_241 = arith.constant 0 : i32
    %dma_start3A_242 = arith.constant 0 : i32
    %dma_start3A_243 = tpu.memref_slice %arg2[%dma_start3A_241, %dma_start3A_242] : memref<1048576x16xf32, #tpu.memory_space<hbm>> -> memref<1048576x16xf32, #tpu.memory_space<hbm>>
    tpu.enqueue_indirect_dma source(%dma_start3A_243 : memref<1048576x16xf32, #tpu.memory_space<hbm>>) target(%dma_start3A_237 : memref<128x16xf32, #tpu.memory_space<vmem>>) offsets(%dma_start3A_240 : memref<128xi32, #tpu.memory_space<vmem>>) semaphore(%arg10 : memref<!tpu.dma_semaphore, #tpu.memory_space<semaphore_mem>>)
    %dma_start3A_244 = arith.constant 24 : i32
    %dma_start3A_245 = arith.constant 3072 : i32
    %dma_start3A_246 = arith.constant 0 : i32
    %dma_start3A_247 = tpu.memref_slice %arg7[%dma_start3A_245, %dma_start3A_246] : memref<4096x16xf32, #tpu.memory_space<vmem>> -> memref<128x16xf32, #tpu.memory_space<vmem>>
    %dma_start3A_248 = arith.constant 0 : i32
    %dma_start3A_249 = tpu.memref_slice %arg6[%dma_start3A_244, %dma_start3A_248] : memref<32x128xi32, #tpu.memory_space<vmem>> -> memref<1x128xi32, #tpu.memory_space<vmem>>
    %dma_start3A_250 = tpu.memref_squeeze %dma_start3A_249 : memref<1x128xi32, #tpu.memory_space<vmem>> -> memref<128xi32, #tpu.memory_space<vmem>>
    %dma_start3A_251 = arith.constant 0 : i32
    %dma_start3A_252 = arith.constant 0 : i32
    %dma_start3A_253 = tpu.memref_slice %arg2[%dma_start3A_251, %dma_start3A_252] : memref<1048576x16xf32, #tpu.memory_space<hbm>> -> memref<1048576x16xf32, #tpu.memory_space<hbm>>
    tpu.enqueue_indirect_dma source(%dma_start3A_253 : memref<1048576x16xf32, #tpu.memory_space<hbm>>) target(%dma_start3A_247 : memref<128x16xf32, #tpu.memory_space<vmem>>) offsets(%dma_start3A_250 : memref<128xi32, #tpu.memory_space<vmem>>) semaphore(%arg10 : memref<!tpu.dma_semaphore, #tpu.memory_space<semaphore_mem>>)
    %dma_start3A_254 = arith.constant 25 : i32
    %dma_start3A_255 = arith.constant 3200 : i32
    %dma_start3A_256 = arith.constant 0 : i32
    %dma_start3A_257 = tpu.memref_slice %arg7[%dma_start3A_255, %dma_start3A_256] : memref<4096x16xf32, #tpu.memory_space<vmem>> -> memref<128x16xf32, #tpu.memory_space<vmem>>
    %dma_start3A_258 = arith.constant 0 : i32
    %dma_start3A_259 = tpu.memref_slice %arg6[%dma_start3A_254, %dma_start3A_258] : memref<32x128xi32, #tpu.memory_space<vmem>> -> memref<1x128xi32, #tpu.memory_space<vmem>>
    %dma_start3A_260 = tpu.memref_squeeze %dma_start3A_259 : memref<1x128xi32, #tpu.memory_space<vmem>> -> memref<128xi32, #tpu.memory_space<vmem>>
    %dma_start3A_261 = arith.constant 0 : i32
    %dma_start3A_262 = arith.constant 0 : i32
    %dma_start3A_263 = tpu.memref_slice %arg2[%dma_start3A_261, %dma_start3A_262] : memref<1048576x16xf32, #tpu.memory_space<hbm>> -> memref<1048576x16xf32, #tpu.memory_space<hbm>>
    tpu.enqueue_indirect_dma source(%dma_start3A_263 : memref<1048576x16xf32, #tpu.memory_space<hbm>>) target(%dma_start3A_257 : memref<128x16xf32, #tpu.memory_space<vmem>>) offsets(%dma_start3A_260 : memref<128xi32, #tpu.memory_space<vmem>>) semaphore(%arg10 : memref<!tpu.dma_semaphore, #tpu.memory_space<semaphore_mem>>)
    %dma_start3A_264 = arith.constant 26 : i32
    %dma_start3A_265 = arith.constant 3328 : i32
    %dma_start3A_266 = arith.constant 0 : i32
    %dma_start3A_267 = tpu.memref_slice %arg7[%dma_start3A_265, %dma_start3A_266] : memref<4096x16xf32, #tpu.memory_space<vmem>> -> memref<128x16xf32, #tpu.memory_space<vmem>>
    %dma_start3A_268 = arith.constant 0 : i32
    %dma_start3A_269 = tpu.memref_slice %arg6[%dma_start3A_264, %dma_start3A_268] : memref<32x128xi32, #tpu.memory_space<vmem>> -> memref<1x128xi32, #tpu.memory_space<vmem>>
    %dma_start3A_270 = tpu.memref_squeeze %dma_start3A_269 : memref<1x128xi32, #tpu.memory_space<vmem>> -> memref<128xi32, #tpu.memory_space<vmem>>
    %dma_start3A_271 = arith.constant 0 : i32
    %dma_start3A_272 = arith.constant 0 : i32
    %dma_start3A_273 = tpu.memref_slice %arg2[%dma_start3A_271, %dma_start3A_272] : memref<1048576x16xf32, #tpu.memory_space<hbm>> -> memref<1048576x16xf32, #tpu.memory_space<hbm>>
    tpu.enqueue_indirect_dma source(%dma_start3A_273 : memref<1048576x16xf32, #tpu.memory_space<hbm>>) target(%dma_start3A_267 : memref<128x16xf32, #tpu.memory_space<vmem>>) offsets(%dma_start3A_270 : memref<128xi32, #tpu.memory_space<vmem>>) semaphore(%arg10 : memref<!tpu.dma_semaphore, #tpu.memory_space<semaphore_mem>>)
    %dma_start3A_274 = arith.constant 27 : i32
    %dma_start3A_275 = arith.constant 3456 : i32
    %dma_start3A_276 = arith.constant 0 : i32
    %dma_start3A_277 = tpu.memref_slice %arg7[%dma_start3A_275, %dma_start3A_276] : memref<4096x16xf32, #tpu.memory_space<vmem>> -> memref<128x16xf32, #tpu.memory_space<vmem>>
    %dma_start3A_278 = arith.constant 0 : i32
    %dma_start3A_279 = tpu.memref_slice %arg6[%dma_start3A_274, %dma_start3A_278] : memref<32x128xi32, #tpu.memory_space<vmem>> -> memref<1x128xi32, #tpu.memory_space<vmem>>
    %dma_start3A_280 = tpu.memref_squeeze %dma_start3A_279 : memref<1x128xi32, #tpu.memory_space<vmem>> -> memref<128xi32, #tpu.memory_space<vmem>>
    %dma_start3A_281 = arith.constant 0 : i32
    %dma_start3A_282 = arith.constant 0 : i32
    %dma_start3A_283 = tpu.memref_slice %arg2[%dma_start3A_281, %dma_start3A_282] : memref<1048576x16xf32, #tpu.memory_space<hbm>> -> memref<1048576x16xf32, #tpu.memory_space<hbm>>
    tpu.enqueue_indirect_dma source(%dma_start3A_283 : memref<1048576x16xf32, #tpu.memory_space<hbm>>) target(%dma_start3A_277 : memref<128x16xf32, #tpu.memory_space<vmem>>) offsets(%dma_start3A_280 : memref<128xi32, #tpu.memory_space<vmem>>) semaphore(%arg10 : memref<!tpu.dma_semaphore, #tpu.memory_space<semaphore_mem>>)
    %dma_start3A_284 = arith.constant 28 : i32
    %dma_start3A_285 = arith.constant 3584 : i32
    %dma_start3A_286 = arith.constant 0 : i32
    %dma_start3A_287 = tpu.memref_slice %arg7[%dma_start3A_285, %dma_start3A_286] : memref<4096x16xf32, #tpu.memory_space<vmem>> -> memref<128x16xf32, #tpu.memory_space<vmem>>
    %dma_start3A_288 = arith.constant 0 : i32
    %dma_start3A_289 = tpu.memref_slice %arg6[%dma_start3A_284, %dma_start3A_288] : memref<32x128xi32, #tpu.memory_space<vmem>> -> memref<1x128xi32, #tpu.memory_space<vmem>>
    %dma_start3A_290 = tpu.memref_squeeze %dma_start3A_289 : memref<1x128xi32, #tpu.memory_space<vmem>> -> memref<128xi32, #tpu.memory_space<vmem>>
    %dma_start3A_291 = arith.constant 0 : i32
    %dma_start3A_292 = arith.constant 0 : i32
    %dma_start3A_293 = tpu.memref_slice %arg2[%dma_start3A_291, %dma_start3A_292] : memref<1048576x16xf32, #tpu.memory_space<hbm>> -> memref<1048576x16xf32, #tpu.memory_space<hbm>>
    tpu.enqueue_indirect_dma source(%dma_start3A_293 : memref<1048576x16xf32, #tpu.memory_space<hbm>>) target(%dma_start3A_287 : memref<128x16xf32, #tpu.memory_space<vmem>>) offsets(%dma_start3A_290 : memref<128xi32, #tpu.memory_space<vmem>>) semaphore(%arg10 : memref<!tpu.dma_semaphore, #tpu.memory_space<semaphore_mem>>)
    %dma_start3A_294 = arith.constant 29 : i32
    %dma_start3A_295 = arith.constant 3712 : i32
    %dma_start3A_296 = arith.constant 0 : i32
    %dma_start3A_297 = tpu.memref_slice %arg7[%dma_start3A_295, %dma_start3A_296] : memref<4096x16xf32, #tpu.memory_space<vmem>> -> memref<128x16xf32, #tpu.memory_space<vmem>>
    %dma_start3A_298 = arith.constant 0 : i32
    %dma_start3A_299 = tpu.memref_slice %arg6[%dma_start3A_294, %dma_start3A_298] : memref<32x128xi32, #tpu.memory_space<vmem>> -> memref<1x128xi32, #tpu.memory_space<vmem>>
    %dma_start3A_300 = tpu.memref_squeeze %dma_start3A_299 : memref<1x128xi32, #tpu.memory_space<vmem>> -> memref<128xi32, #tpu.memory_space<vmem>>
    %dma_start3A_301 = arith.constant 0 : i32
    %dma_start3A_302 = arith.constant 0 : i32
    %dma_start3A_303 = tpu.memref_slice %arg2[%dma_start3A_301, %dma_start3A_302] : memref<1048576x16xf32, #tpu.memory_space<hbm>> -> memref<1048576x16xf32, #tpu.memory_space<hbm>>
    tpu.enqueue_indirect_dma source(%dma_start3A_303 : memref<1048576x16xf32, #tpu.memory_space<hbm>>) target(%dma_start3A_297 : memref<128x16xf32, #tpu.memory_space<vmem>>) offsets(%dma_start3A_300 : memref<128xi32, #tpu.memory_space<vmem>>) semaphore(%arg10 : memref<!tpu.dma_semaphore, #tpu.memory_space<semaphore_mem>>)
    %dma_start3A_304 = arith.constant 30 : i32
    %dma_start3A_305 = arith.constant 3840 : i32
    %dma_start3A_306 = arith.constant 0 : i32
    %dma_start3A_307 = tpu.memref_slice %arg7[%dma_start3A_305, %dma_start3A_306] : memref<4096x16xf32, #tpu.memory_space<vmem>> -> memref<128x16xf32, #tpu.memory_space<vmem>>
    %dma_start3A_308 = arith.constant 0 : i32
    %dma_start3A_309 = tpu.memref_slice %arg6[%dma_start3A_304, %dma_start3A_308] : memref<32x128xi32, #tpu.memory_space<vmem>> -> memref<1x128xi32, #tpu.memory_space<vmem>>
    %dma_start3A_310 = tpu.memref_squeeze %dma_start3A_309 : memref<1x128xi32, #tpu.memory_space<vmem>> -> memref<128xi32, #tpu.memory_space<vmem>>
    %dma_start3A_311 = arith.constant 0 : i32
    %dma_start3A_312 = arith.constant 0 : i32
    %dma_start3A_313 = tpu.memref_slice %arg2[%dma_start3A_311, %dma_start3A_312] : memref<1048576x16xf32, #tpu.memory_space<hbm>> -> memref<1048576x16xf32, #tpu.memory_space<hbm>>
    tpu.enqueue_indirect_dma source(%dma_start3A_313 : memref<1048576x16xf32, #tpu.memory_space<hbm>>) target(%dma_start3A_307 : memref<128x16xf32, #tpu.memory_space<vmem>>) offsets(%dma_start3A_310 : memref<128xi32, #tpu.memory_space<vmem>>) semaphore(%arg10 : memref<!tpu.dma_semaphore, #tpu.memory_space<semaphore_mem>>)
    %dma_start3A_314 = arith.constant 31 : i32
    %dma_start3A_315 = arith.constant 3968 : i32
    %dma_start3A_316 = arith.constant 0 : i32
    %dma_start3A_317 = tpu.memref_slice %arg7[%dma_start3A_315, %dma_start3A_316] : memref<4096x16xf32, #tpu.memory_space<vmem>> -> memref<128x16xf32, #tpu.memory_space<vmem>>
    %dma_start3A_318 = arith.constant 0 : i32
    %dma_start3A_319 = tpu.memref_slice %arg6[%dma_start3A_314, %dma_start3A_318] : memref<32x128xi32, #tpu.memory_space<vmem>> -> memref<1x128xi32, #tpu.memory_space<vmem>>
    %dma_start3A_320 = tpu.memref_squeeze %dma_start3A_319 : memref<1x128xi32, #tpu.memory_space<vmem>> -> memref<128xi32, #tpu.memory_space<vmem>>
    %dma_start3A_321 = arith.constant 0 : i32
    %dma_start3A_322 = arith.constant 0 : i32
    %dma_start3A_323 = tpu.memref_slice %arg2[%dma_start3A_321, %dma_start3A_322] : memref<1048576x16xf32, #tpu.memory_space<hbm>> -> memref<1048576x16xf32, #tpu.memory_space<hbm>>
    tpu.enqueue_indirect_dma source(%dma_start3A_323 : memref<1048576x16xf32, #tpu.memory_space<hbm>>) target(%dma_start3A_317 : memref<128x16xf32, #tpu.memory_space<vmem>>) offsets(%dma_start3A_320 : memref<128xi32, #tpu.memory_space<vmem>>) semaphore(%arg10 : memref<!tpu.dma_semaphore, #tpu.memory_space<semaphore_mem>>)
    %dma_wait3A = arith.constant 0 : i32
    %dma_wait3A_324 = arith.constant 0 : i32
    %dma_wait3A_325 = arith.constant 0 : i32
    %dma_wait3A_326 = tpu.memref_slice %arg7[%dma_wait3A_324, %dma_wait3A_325] : memref<4096x16xf32, #tpu.memory_space<vmem>> -> memref<128x16xf32, #tpu.memory_space<vmem>>
    %dma_wait3A_327 = arith.constant 0 : i32
    %dma_wait3A_328 = tpu.memref_slice %arg6[%dma_wait3A, %dma_wait3A_327] : memref<32x128xi32, #tpu.memory_space<vmem>> -> memref<1x128xi32, #tpu.memory_space<vmem>>
    %dma_wait3A_329 = tpu.memref_squeeze %dma_wait3A_328 : memref<1x128xi32, #tpu.memory_space<vmem>> -> memref<128xi32, #tpu.memory_space<vmem>>
    %dma_wait3A_330 = arith.constant 0 : i32
    %dma_wait3A_331 = arith.constant 0 : i32
    %dma_wait3A_332 = tpu.memref_slice %arg2[%dma_wait3A_330, %dma_wait3A_331] : memref<1048576x16xf32, #tpu.memory_space<hbm>> -> memref<1048576x16xf32, #tpu.memory_space<hbm>>
    tpu.wait_indirect_dma semaphore(%arg10 : memref<!tpu.dma_semaphore, #tpu.memory_space<semaphore_mem>>) src(%dma_wait3A_332 : memref<1048576x16xf32, #tpu.memory_space<hbm>>) dst(%dma_wait3A_326 : memref<128x16xf32, #tpu.memory_space<vmem>>)
    %dma_wait3A_333 = arith.constant 1 : i32
    %dma_wait3A_334 = arith.constant 128 : i32
    %dma_wait3A_335 = arith.constant 0 : i32
    %dma_wait3A_336 = tpu.memref_slice %arg7[%dma_wait3A_334, %dma_wait3A_335] : memref<4096x16xf32, #tpu.memory_space<vmem>> -> memref<128x16xf32, #tpu.memory_space<vmem>>
    %dma_wait3A_337 = arith.constant 0 : i32
    %dma_wait3A_338 = tpu.memref_slice %arg6[%dma_wait3A_333, %dma_wait3A_337] : memref<32x128xi32, #tpu.memory_space<vmem>> -> memref<1x128xi32, #tpu.memory_space<vmem>>
    %dma_wait3A_339 = tpu.memref_squeeze %dma_wait3A_338 : memref<1x128xi32, #tpu.memory_space<vmem>> -> memref<128xi32, #tpu.memory_space<vmem>>
    %dma_wait3A_340 = arith.constant 0 : i32
    %dma_wait3A_341 = arith.constant 0 : i32
    %dma_wait3A_342 = tpu.memref_slice %arg2[%dma_wait3A_340, %dma_wait3A_341] : memref<1048576x16xf32, #tpu.memory_space<hbm>> -> memref<1048576x16xf32, #tpu.memory_space<hbm>>
    tpu.wait_indirect_dma semaphore(%arg10 : memref<!tpu.dma_semaphore, #tpu.memory_space<semaphore_mem>>) src(%dma_wait3A_342 : memref<1048576x16xf32, #tpu.memory_space<hbm>>) dst(%dma_wait3A_336 : memref<128x16xf32, #tpu.memory_space<vmem>>)
    %dma_wait3A_343 = arith.constant 2 : i32
    %dma_wait3A_344 = arith.constant 256 : i32
    %dma_wait3A_345 = arith.constant 0 : i32
    %dma_wait3A_346 = tpu.memref_slice %arg7[%dma_wait3A_344, %dma_wait3A_345] : memref<4096x16xf32, #tpu.memory_space<vmem>> -> memref<128x16xf32, #tpu.memory_space<vmem>>
    %dma_wait3A_347 = arith.constant 0 : i32
    %dma_wait3A_348 = tpu.memref_slice %arg6[%dma_wait3A_343, %dma_wait3A_347] : memref<32x128xi32, #tpu.memory_space<vmem>> -> memref<1x128xi32, #tpu.memory_space<vmem>>
    %dma_wait3A_349 = tpu.memref_squeeze %dma_wait3A_348 : memref<1x128xi32, #tpu.memory_space<vmem>> -> memref<128xi32, #tpu.memory_space<vmem>>
    %dma_wait3A_350 = arith.constant 0 : i32
    %dma_wait3A_351 = arith.constant 0 : i32
    %dma_wait3A_352 = tpu.memref_slice %arg2[%dma_wait3A_350, %dma_wait3A_351] : memref<1048576x16xf32, #tpu.memory_space<hbm>> -> memref<1048576x16xf32, #tpu.memory_space<hbm>>
    tpu.wait_indirect_dma semaphore(%arg10 : memref<!tpu.dma_semaphore, #tpu.memory_space<semaphore_mem>>) src(%dma_wait3A_352 : memref<1048576x16xf32, #tpu.memory_space<hbm>>) dst(%dma_wait3A_346 : memref<128x16xf32, #tpu.memory_space<vmem>>)
    %dma_wait3A_353 = arith.constant 3 : i32
    %dma_wait3A_354 = arith.constant 384 : i32
    %dma_wait3A_355 = arith.constant 0 : i32
    %dma_wait3A_356 = tpu.memref_slice %arg7[%dma_wait3A_354, %dma_wait3A_355] : memref<4096x16xf32, #tpu.memory_space<vmem>> -> memref<128x16xf32, #tpu.memory_space<vmem>>
    %dma_wait3A_357 = arith.constant 0 : i32
    %dma_wait3A_358 = tpu.memref_slice %arg6[%dma_wait3A_353, %dma_wait3A_357] : memref<32x128xi32, #tpu.memory_space<vmem>> -> memref<1x128xi32, #tpu.memory_space<vmem>>
    %dma_wait3A_359 = tpu.memref_squeeze %dma_wait3A_358 : memref<1x128xi32, #tpu.memory_space<vmem>> -> memref<128xi32, #tpu.memory_space<vmem>>
    %dma_wait3A_360 = arith.constant 0 : i32
    %dma_wait3A_361 = arith.constant 0 : i32
    %dma_wait3A_362 = tpu.memref_slice %arg2[%dma_wait3A_360, %dma_wait3A_361] : memref<1048576x16xf32, #tpu.memory_space<hbm>> -> memref<1048576x16xf32, #tpu.memory_space<hbm>>
    tpu.wait_indirect_dma semaphore(%arg10 : memref<!tpu.dma_semaphore, #tpu.memory_space<semaphore_mem>>) src(%dma_wait3A_362 : memref<1048576x16xf32, #tpu.memory_space<hbm>>) dst(%dma_wait3A_356 : memref<128x16xf32, #tpu.memory_space<vmem>>)
    %dma_wait3A_363 = arith.constant 4 : i32
    %dma_wait3A_364 = arith.constant 512 : i32
    %dma_wait3A_365 = arith.constant 0 : i32
    %dma_wait3A_366 = tpu.memref_slice %arg7[%dma_wait3A_364, %dma_wait3A_365] : memref<4096x16xf32, #tpu.memory_space<vmem>> -> memref<128x16xf32, #tpu.memory_space<vmem>>
    %dma_wait3A_367 = arith.constant 0 : i32
    %dma_wait3A_368 = tpu.memref_slice %arg6[%dma_wait3A_363, %dma_wait3A_367] : memref<32x128xi32, #tpu.memory_space<vmem>> -> memref<1x128xi32, #tpu.memory_space<vmem>>
    %dma_wait3A_369 = tpu.memref_squeeze %dma_wait3A_368 : memref<1x128xi32, #tpu.memory_space<vmem>> -> memref<128xi32, #tpu.memory_space<vmem>>
    %dma_wait3A_370 = arith.constant 0 : i32
    %dma_wait3A_371 = arith.constant 0 : i32
    %dma_wait3A_372 = tpu.memref_slice %arg2[%dma_wait3A_370, %dma_wait3A_371] : memref<1048576x16xf32, #tpu.memory_space<hbm>> -> memref<1048576x16xf32, #tpu.memory_space<hbm>>
    tpu.wait_indirect_dma semaphore(%arg10 : memref<!tpu.dma_semaphore, #tpu.memory_space<semaphore_mem>>) src(%dma_wait3A_372 : memref<1048576x16xf32, #tpu.memory_space<hbm>>) dst(%dma_wait3A_366 : memref<128x16xf32, #tpu.memory_space<vmem>>)
    %dma_wait3A_373 = arith.constant 5 : i32
    %dma_wait3A_374 = arith.constant 640 : i32
    %dma_wait3A_375 = arith.constant 0 : i32
    %dma_wait3A_376 = tpu.memref_slice %arg7[%dma_wait3A_374, %dma_wait3A_375] : memref<4096x16xf32, #tpu.memory_space<vmem>> -> memref<128x16xf32, #tpu.memory_space<vmem>>
    %dma_wait3A_377 = arith.constant 0 : i32
    %dma_wait3A_378 = tpu.memref_slice %arg6[%dma_wait3A_373, %dma_wait3A_377] : memref<32x128xi32, #tpu.memory_space<vmem>> -> memref<1x128xi32, #tpu.memory_space<vmem>>
    %dma_wait3A_379 = tpu.memref_squeeze %dma_wait3A_378 : memref<1x128xi32, #tpu.memory_space<vmem>> -> memref<128xi32, #tpu.memory_space<vmem>>
    %dma_wait3A_380 = arith.constant 0 : i32
    %dma_wait3A_381 = arith.constant 0 : i32
    %dma_wait3A_382 = tpu.memref_slice %arg2[%dma_wait3A_380, %dma_wait3A_381] : memref<1048576x16xf32, #tpu.memory_space<hbm>> -> memref<1048576x16xf32, #tpu.memory_space<hbm>>
    tpu.wait_indirect_dma semaphore(%arg10 : memref<!tpu.dma_semaphore, #tpu.memory_space<semaphore_mem>>) src(%dma_wait3A_382 : memref<1048576x16xf32, #tpu.memory_space<hbm>>) dst(%dma_wait3A_376 : memref<128x16xf32, #tpu.memory_space<vmem>>)
    %dma_wait3A_383 = arith.constant 6 : i32
    %dma_wait3A_384 = arith.constant 768 : i32
    %dma_wait3A_385 = arith.constant 0 : i32
    %dma_wait3A_386 = tpu.memref_slice %arg7[%dma_wait3A_384, %dma_wait3A_385] : memref<4096x16xf32, #tpu.memory_space<vmem>> -> memref<128x16xf32, #tpu.memory_space<vmem>>
    %dma_wait3A_387 = arith.constant 0 : i32
    %dma_wait3A_388 = tpu.memref_slice %arg6[%dma_wait3A_383, %dma_wait3A_387] : memref<32x128xi32, #tpu.memory_space<vmem>> -> memref<1x128xi32, #tpu.memory_space<vmem>>
    %dma_wait3A_389 = tpu.memref_squeeze %dma_wait3A_388 : memref<1x128xi32, #tpu.memory_space<vmem>> -> memref<128xi32, #tpu.memory_space<vmem>>
    %dma_wait3A_390 = arith.constant 0 : i32
    %dma_wait3A_391 = arith.constant 0 : i32
    %dma_wait3A_392 = tpu.memref_slice %arg2[%dma_wait3A_390, %dma_wait3A_391] : memref<1048576x16xf32, #tpu.memory_space<hbm>> -> memref<1048576x16xf32, #tpu.memory_space<hbm>>
    tpu.wait_indirect_dma semaphore(%arg10 : memref<!tpu.dma_semaphore, #tpu.memory_space<semaphore_mem>>) src(%dma_wait3A_392 : memref<1048576x16xf32, #tpu.memory_space<hbm>>) dst(%dma_wait3A_386 : memref<128x16xf32, #tpu.memory_space<vmem>>)
    %dma_wait3A_393 = arith.constant 7 : i32
    %dma_wait3A_394 = arith.constant 896 : i32
    %dma_wait3A_395 = arith.constant 0 : i32
    %dma_wait3A_396 = tpu.memref_slice %arg7[%dma_wait3A_394, %dma_wait3A_395] : memref<4096x16xf32, #tpu.memory_space<vmem>> -> memref<128x16xf32, #tpu.memory_space<vmem>>
    %dma_wait3A_397 = arith.constant 0 : i32
    %dma_wait3A_398 = tpu.memref_slice %arg6[%dma_wait3A_393, %dma_wait3A_397] : memref<32x128xi32, #tpu.memory_space<vmem>> -> memref<1x128xi32, #tpu.memory_space<vmem>>
    %dma_wait3A_399 = tpu.memref_squeeze %dma_wait3A_398 : memref<1x128xi32, #tpu.memory_space<vmem>> -> memref<128xi32, #tpu.memory_space<vmem>>
    %dma_wait3A_400 = arith.constant 0 : i32
    %dma_wait3A_401 = arith.constant 0 : i32
    %dma_wait3A_402 = tpu.memref_slice %arg2[%dma_wait3A_400, %dma_wait3A_401] : memref<1048576x16xf32, #tpu.memory_space<hbm>> -> memref<1048576x16xf32, #tpu.memory_space<hbm>>
    tpu.wait_indirect_dma semaphore(%arg10 : memref<!tpu.dma_semaphore, #tpu.memory_space<semaphore_mem>>) src(%dma_wait3A_402 : memref<1048576x16xf32, #tpu.memory_space<hbm>>) dst(%dma_wait3A_396 : memref<128x16xf32, #tpu.memory_space<vmem>>)
    %dma_wait3A_403 = arith.constant 8 : i32
    %dma_wait3A_404 = arith.constant 1024 : i32
    %dma_wait3A_405 = arith.constant 0 : i32
    %dma_wait3A_406 = tpu.memref_slice %arg7[%dma_wait3A_404, %dma_wait3A_405] : memref<4096x16xf32, #tpu.memory_space<vmem>> -> memref<128x16xf32, #tpu.memory_space<vmem>>
    %dma_wait3A_407 = arith.constant 0 : i32
    %dma_wait3A_408 = tpu.memref_slice %arg6[%dma_wait3A_403, %dma_wait3A_407] : memref<32x128xi32, #tpu.memory_space<vmem>> -> memref<1x128xi32, #tpu.memory_space<vmem>>
    %dma_wait3A_409 = tpu.memref_squeeze %dma_wait3A_408 : memref<1x128xi32, #tpu.memory_space<vmem>> -> memref<128xi32, #tpu.memory_space<vmem>>
    %dma_wait3A_410 = arith.constant 0 : i32
    %dma_wait3A_411 = arith.constant 0 : i32
    %dma_wait3A_412 = tpu.memref_slice %arg2[%dma_wait3A_410, %dma_wait3A_411] : memref<1048576x16xf32, #tpu.memory_space<hbm>> -> memref<1048576x16xf32, #tpu.memory_space<hbm>>
    tpu.wait_indirect_dma semaphore(%arg10 : memref<!tpu.dma_semaphore, #tpu.memory_space<semaphore_mem>>) src(%dma_wait3A_412 : memref<1048576x16xf32, #tpu.memory_space<hbm>>) dst(%dma_wait3A_406 : memref<128x16xf32, #tpu.memory_space<vmem>>)
    %dma_wait3A_413 = arith.constant 9 : i32
    %dma_wait3A_414 = arith.constant 1152 : i32
    %dma_wait3A_415 = arith.constant 0 : i32
    %dma_wait3A_416 = tpu.memref_slice %arg7[%dma_wait3A_414, %dma_wait3A_415] : memref<4096x16xf32, #tpu.memory_space<vmem>> -> memref<128x16xf32, #tpu.memory_space<vmem>>
    %dma_wait3A_417 = arith.constant 0 : i32
    %dma_wait3A_418 = tpu.memref_slice %arg6[%dma_wait3A_413, %dma_wait3A_417] : memref<32x128xi32, #tpu.memory_space<vmem>> -> memref<1x128xi32, #tpu.memory_space<vmem>>
    %dma_wait3A_419 = tpu.memref_squeeze %dma_wait3A_418 : memref<1x128xi32, #tpu.memory_space<vmem>> -> memref<128xi32, #tpu.memory_space<vmem>>
    %dma_wait3A_420 = arith.constant 0 : i32
    %dma_wait3A_421 = arith.constant 0 : i32
    %dma_wait3A_422 = tpu.memref_slice %arg2[%dma_wait3A_420, %dma_wait3A_421] : memref<1048576x16xf32, #tpu.memory_space<hbm>> -> memref<1048576x16xf32, #tpu.memory_space<hbm>>
    tpu.wait_indirect_dma semaphore(%arg10 : memref<!tpu.dma_semaphore, #tpu.memory_space<semaphore_mem>>) src(%dma_wait3A_422 : memref<1048576x16xf32, #tpu.memory_space<hbm>>) dst(%dma_wait3A_416 : memref<128x16xf32, #tpu.memory_space<vmem>>)
    %dma_wait3A_423 = arith.constant 10 : i32
    %dma_wait3A_424 = arith.constant 1280 : i32
    %dma_wait3A_425 = arith.constant 0 : i32
    %dma_wait3A_426 = tpu.memref_slice %arg7[%dma_wait3A_424, %dma_wait3A_425] : memref<4096x16xf32, #tpu.memory_space<vmem>> -> memref<128x16xf32, #tpu.memory_space<vmem>>
    %dma_wait3A_427 = arith.constant 0 : i32
    %dma_wait3A_428 = tpu.memref_slice %arg6[%dma_wait3A_423, %dma_wait3A_427] : memref<32x128xi32, #tpu.memory_space<vmem>> -> memref<1x128xi32, #tpu.memory_space<vmem>>
    %dma_wait3A_429 = tpu.memref_squeeze %dma_wait3A_428 : memref<1x128xi32, #tpu.memory_space<vmem>> -> memref<128xi32, #tpu.memory_space<vmem>>
    %dma_wait3A_430 = arith.constant 0 : i32
    %dma_wait3A_431 = arith.constant 0 : i32
    %dma_wait3A_432 = tpu.memref_slice %arg2[%dma_wait3A_430, %dma_wait3A_431] : memref<1048576x16xf32, #tpu.memory_space<hbm>> -> memref<1048576x16xf32, #tpu.memory_space<hbm>>
    tpu.wait_indirect_dma semaphore(%arg10 : memref<!tpu.dma_semaphore, #tpu.memory_space<semaphore_mem>>) src(%dma_wait3A_432 : memref<1048576x16xf32, #tpu.memory_space<hbm>>) dst(%dma_wait3A_426 : memref<128x16xf32, #tpu.memory_space<vmem>>)
    %dma_wait3A_433 = arith.constant 11 : i32
    %dma_wait3A_434 = arith.constant 1408 : i32
    %dma_wait3A_435 = arith.constant 0 : i32
    %dma_wait3A_436 = tpu.memref_slice %arg7[%dma_wait3A_434, %dma_wait3A_435] : memref<4096x16xf32, #tpu.memory_space<vmem>> -> memref<128x16xf32, #tpu.memory_space<vmem>>
    %dma_wait3A_437 = arith.constant 0 : i32
    %dma_wait3A_438 = tpu.memref_slice %arg6[%dma_wait3A_433, %dma_wait3A_437] : memref<32x128xi32, #tpu.memory_space<vmem>> -> memref<1x128xi32, #tpu.memory_space<vmem>>
    %dma_wait3A_439 = tpu.memref_squeeze %dma_wait3A_438 : memref<1x128xi32, #tpu.memory_space<vmem>> -> memref<128xi32, #tpu.memory_space<vmem>>
    %dma_wait3A_440 = arith.constant 0 : i32
    %dma_wait3A_441 = arith.constant 0 : i32
    %dma_wait3A_442 = tpu.memref_slice %arg2[%dma_wait3A_440, %dma_wait3A_441] : memref<1048576x16xf32, #tpu.memory_space<hbm>> -> memref<1048576x16xf32, #tpu.memory_space<hbm>>
    tpu.wait_indirect_dma semaphore(%arg10 : memref<!tpu.dma_semaphore, #tpu.memory_space<semaphore_mem>>) src(%dma_wait3A_442 : memref<1048576x16xf32, #tpu.memory_space<hbm>>) dst(%dma_wait3A_436 : memref<128x16xf32, #tpu.memory_space<vmem>>)
    %dma_wait3A_443 = arith.constant 12 : i32
    %dma_wait3A_444 = arith.constant 1536 : i32
    %dma_wait3A_445 = arith.constant 0 : i32
    %dma_wait3A_446 = tpu.memref_slice %arg7[%dma_wait3A_444, %dma_wait3A_445] : memref<4096x16xf32, #tpu.memory_space<vmem>> -> memref<128x16xf32, #tpu.memory_space<vmem>>
    %dma_wait3A_447 = arith.constant 0 : i32
    %dma_wait3A_448 = tpu.memref_slice %arg6[%dma_wait3A_443, %dma_wait3A_447] : memref<32x128xi32, #tpu.memory_space<vmem>> -> memref<1x128xi32, #tpu.memory_space<vmem>>
    %dma_wait3A_449 = tpu.memref_squeeze %dma_wait3A_448 : memref<1x128xi32, #tpu.memory_space<vmem>> -> memref<128xi32, #tpu.memory_space<vmem>>
    %dma_wait3A_450 = arith.constant 0 : i32
    %dma_wait3A_451 = arith.constant 0 : i32
    %dma_wait3A_452 = tpu.memref_slice %arg2[%dma_wait3A_450, %dma_wait3A_451] : memref<1048576x16xf32, #tpu.memory_space<hbm>> -> memref<1048576x16xf32, #tpu.memory_space<hbm>>
    tpu.wait_indirect_dma semaphore(%arg10 : memref<!tpu.dma_semaphore, #tpu.memory_space<semaphore_mem>>) src(%dma_wait3A_452 : memref<1048576x16xf32, #tpu.memory_space<hbm>>) dst(%dma_wait3A_446 : memref<128x16xf32, #tpu.memory_space<vmem>>)
    %dma_wait3A_453 = arith.constant 13 : i32
    %dma_wait3A_454 = arith.constant 1664 : i32
    %dma_wait3A_455 = arith.constant 0 : i32
    %dma_wait3A_456 = tpu.memref_slice %arg7[%dma_wait3A_454, %dma_wait3A_455] : memref<4096x16xf32, #tpu.memory_space<vmem>> -> memref<128x16xf32, #tpu.memory_space<vmem>>
    %dma_wait3A_457 = arith.constant 0 : i32
    %dma_wait3A_458 = tpu.memref_slice %arg6[%dma_wait3A_453, %dma_wait3A_457] : memref<32x128xi32, #tpu.memory_space<vmem>> -> memref<1x128xi32, #tpu.memory_space<vmem>>
    %dma_wait3A_459 = tpu.memref_squeeze %dma_wait3A_458 : memref<1x128xi32, #tpu.memory_space<vmem>> -> memref<128xi32, #tpu.memory_space<vmem>>
    %dma_wait3A_460 = arith.constant 0 : i32
    %dma_wait3A_461 = arith.constant 0 : i32
    %dma_wait3A_462 = tpu.memref_slice %arg2[%dma_wait3A_460, %dma_wait3A_461] : memref<1048576x16xf32, #tpu.memory_space<hbm>> -> memref<1048576x16xf32, #tpu.memory_space<hbm>>
    tpu.wait_indirect_dma semaphore(%arg10 : memref<!tpu.dma_semaphore, #tpu.memory_space<semaphore_mem>>) src(%dma_wait3A_462 : memref<1048576x16xf32, #tpu.memory_space<hbm>>) dst(%dma_wait3A_456 : memref<128x16xf32, #tpu.memory_space<vmem>>)
    %dma_wait3A_463 = arith.constant 14 : i32
    %dma_wait3A_464 = arith.constant 1792 : i32
    %dma_wait3A_465 = arith.constant 0 : i32
    %dma_wait3A_466 = tpu.memref_slice %arg7[%dma_wait3A_464, %dma_wait3A_465] : memref<4096x16xf32, #tpu.memory_space<vmem>> -> memref<128x16xf32, #tpu.memory_space<vmem>>
    %dma_wait3A_467 = arith.constant 0 : i32
    %dma_wait3A_468 = tpu.memref_slice %arg6[%dma_wait3A_463, %dma_wait3A_467] : memref<32x128xi32, #tpu.memory_space<vmem>> -> memref<1x128xi32, #tpu.memory_space<vmem>>
    %dma_wait3A_469 = tpu.memref_squeeze %dma_wait3A_468 : memref<1x128xi32, #tpu.memory_space<vmem>> -> memref<128xi32, #tpu.memory_space<vmem>>
    %dma_wait3A_470 = arith.constant 0 : i32
    %dma_wait3A_471 = arith.constant 0 : i32
    %dma_wait3A_472 = tpu.memref_slice %arg2[%dma_wait3A_470, %dma_wait3A_471] : memref<1048576x16xf32, #tpu.memory_space<hbm>> -> memref<1048576x16xf32, #tpu.memory_space<hbm>>
    tpu.wait_indirect_dma semaphore(%arg10 : memref<!tpu.dma_semaphore, #tpu.memory_space<semaphore_mem>>) src(%dma_wait3A_472 : memref<1048576x16xf32, #tpu.memory_space<hbm>>) dst(%dma_wait3A_466 : memref<128x16xf32, #tpu.memory_space<vmem>>)
    %dma_wait3A_473 = arith.constant 15 : i32
    %dma_wait3A_474 = arith.constant 1920 : i32
    %dma_wait3A_475 = arith.constant 0 : i32
    %dma_wait3A_476 = tpu.memref_slice %arg7[%dma_wait3A_474, %dma_wait3A_475] : memref<4096x16xf32, #tpu.memory_space<vmem>> -> memref<128x16xf32, #tpu.memory_space<vmem>>
    %dma_wait3A_477 = arith.constant 0 : i32
    %dma_wait3A_478 = tpu.memref_slice %arg6[%dma_wait3A_473, %dma_wait3A_477] : memref<32x128xi32, #tpu.memory_space<vmem>> -> memref<1x128xi32, #tpu.memory_space<vmem>>
    %dma_wait3A_479 = tpu.memref_squeeze %dma_wait3A_478 : memref<1x128xi32, #tpu.memory_space<vmem>> -> memref<128xi32, #tpu.memory_space<vmem>>
    %dma_wait3A_480 = arith.constant 0 : i32
    %dma_wait3A_481 = arith.constant 0 : i32
    %dma_wait3A_482 = tpu.memref_slice %arg2[%dma_wait3A_480, %dma_wait3A_481] : memref<1048576x16xf32, #tpu.memory_space<hbm>> -> memref<1048576x16xf32, #tpu.memory_space<hbm>>
    tpu.wait_indirect_dma semaphore(%arg10 : memref<!tpu.dma_semaphore, #tpu.memory_space<semaphore_mem>>) src(%dma_wait3A_482 : memref<1048576x16xf32, #tpu.memory_space<hbm>>) dst(%dma_wait3A_476 : memref<128x16xf32, #tpu.memory_space<vmem>>)
    %dma_wait3A_483 = arith.constant 16 : i32
    %dma_wait3A_484 = arith.constant 2048 : i32
    %dma_wait3A_485 = arith.constant 0 : i32
    %dma_wait3A_486 = tpu.memref_slice %arg7[%dma_wait3A_484, %dma_wait3A_485] : memref<4096x16xf32, #tpu.memory_space<vmem>> -> memref<128x16xf32, #tpu.memory_space<vmem>>
    %dma_wait3A_487 = arith.constant 0 : i32
    %dma_wait3A_488 = tpu.memref_slice %arg6[%dma_wait3A_483, %dma_wait3A_487] : memref<32x128xi32, #tpu.memory_space<vmem>> -> memref<1x128xi32, #tpu.memory_space<vmem>>
    %dma_wait3A_489 = tpu.memref_squeeze %dma_wait3A_488 : memref<1x128xi32, #tpu.memory_space<vmem>> -> memref<128xi32, #tpu.memory_space<vmem>>
    %dma_wait3A_490 = arith.constant 0 : i32
    %dma_wait3A_491 = arith.constant 0 : i32
    %dma_wait3A_492 = tpu.memref_slice %arg2[%dma_wait3A_490, %dma_wait3A_491] : memref<1048576x16xf32, #tpu.memory_space<hbm>> -> memref<1048576x16xf32, #tpu.memory_space<hbm>>
    tpu.wait_indirect_dma semaphore(%arg10 : memref<!tpu.dma_semaphore, #tpu.memory_space<semaphore_mem>>) src(%dma_wait3A_492 : memref<1048576x16xf32, #tpu.memory_space<hbm>>) dst(%dma_wait3A_486 : memref<128x16xf32, #tpu.memory_space<vmem>>)
    %dma_wait3A_493 = arith.constant 17 : i32
    %dma_wait3A_494 = arith.constant 2176 : i32
    %dma_wait3A_495 = arith.constant 0 : i32
    %dma_wait3A_496 = tpu.memref_slice %arg7[%dma_wait3A_494, %dma_wait3A_495] : memref<4096x16xf32, #tpu.memory_space<vmem>> -> memref<128x16xf32, #tpu.memory_space<vmem>>
    %dma_wait3A_497 = arith.constant 0 : i32
    %dma_wait3A_498 = tpu.memref_slice %arg6[%dma_wait3A_493, %dma_wait3A_497] : memref<32x128xi32, #tpu.memory_space<vmem>> -> memref<1x128xi32, #tpu.memory_space<vmem>>
    %dma_wait3A_499 = tpu.memref_squeeze %dma_wait3A_498 : memref<1x128xi32, #tpu.memory_space<vmem>> -> memref<128xi32, #tpu.memory_space<vmem>>
    %dma_wait3A_500 = arith.constant 0 : i32
    %dma_wait3A_501 = arith.constant 0 : i32
    %dma_wait3A_502 = tpu.memref_slice %arg2[%dma_wait3A_500, %dma_wait3A_501] : memref<1048576x16xf32, #tpu.memory_space<hbm>> -> memref<1048576x16xf32, #tpu.memory_space<hbm>>
    tpu.wait_indirect_dma semaphore(%arg10 : memref<!tpu.dma_semaphore, #tpu.memory_space<semaphore_mem>>) src(%dma_wait3A_502 : memref<1048576x16xf32, #tpu.memory_space<hbm>>) dst(%dma_wait3A_496 : memref<128x16xf32, #tpu.memory_space<vmem>>)
    %dma_wait3A_503 = arith.constant 18 : i32
    %dma_wait3A_504 = arith.constant 2304 : i32
    %dma_wait3A_505 = arith.constant 0 : i32
    %dma_wait3A_506 = tpu.memref_slice %arg7[%dma_wait3A_504, %dma_wait3A_505] : memref<4096x16xf32, #tpu.memory_space<vmem>> -> memref<128x16xf32, #tpu.memory_space<vmem>>
    %dma_wait3A_507 = arith.constant 0 : i32
    %dma_wait3A_508 = tpu.memref_slice %arg6[%dma_wait3A_503, %dma_wait3A_507] : memref<32x128xi32, #tpu.memory_space<vmem>> -> memref<1x128xi32, #tpu.memory_space<vmem>>
    %dma_wait3A_509 = tpu.memref_squeeze %dma_wait3A_508 : memref<1x128xi32, #tpu.memory_space<vmem>> -> memref<128xi32, #tpu.memory_space<vmem>>
    %dma_wait3A_510 = arith.constant 0 : i32
    %dma_wait3A_511 = arith.constant 0 : i32
    %dma_wait3A_512 = tpu.memref_slice %arg2[%dma_wait3A_510, %dma_wait3A_511] : memref<1048576x16xf32, #tpu.memory_space<hbm>> -> memref<1048576x16xf32, #tpu.memory_space<hbm>>
    tpu.wait_indirect_dma semaphore(%arg10 : memref<!tpu.dma_semaphore, #tpu.memory_space<semaphore_mem>>) src(%dma_wait3A_512 : memref<1048576x16xf32, #tpu.memory_space<hbm>>) dst(%dma_wait3A_506 : memref<128x16xf32, #tpu.memory_space<vmem>>)
    %dma_wait3A_513 = arith.constant 19 : i32
    %dma_wait3A_514 = arith.constant 2432 : i32
    %dma_wait3A_515 = arith.constant 0 : i32
    %dma_wait3A_516 = tpu.memref_slice %arg7[%dma_wait3A_514, %dma_wait3A_515] : memref<4096x16xf32, #tpu.memory_space<vmem>> -> memref<128x16xf32, #tpu.memory_space<vmem>>
    %dma_wait3A_517 = arith.constant 0 : i32
    %dma_wait3A_518 = tpu.memref_slice %arg6[%dma_wait3A_513, %dma_wait3A_517] : memref<32x128xi32, #tpu.memory_space<vmem>> -> memref<1x128xi32, #tpu.memory_space<vmem>>
    %dma_wait3A_519 = tpu.memref_squeeze %dma_wait3A_518 : memref<1x128xi32, #tpu.memory_space<vmem>> -> memref<128xi32, #tpu.memory_space<vmem>>
    %dma_wait3A_520 = arith.constant 0 : i32
    %dma_wait3A_521 = arith.constant 0 : i32
    %dma_wait3A_522 = tpu.memref_slice %arg2[%dma_wait3A_520, %dma_wait3A_521] : memref<1048576x16xf32, #tpu.memory_space<hbm>> -> memref<1048576x16xf32, #tpu.memory_space<hbm>>
    tpu.wait_indirect_dma semaphore(%arg10 : memref<!tpu.dma_semaphore, #tpu.memory_space<semaphore_mem>>) src(%dma_wait3A_522 : memref<1048576x16xf32, #tpu.memory_space<hbm>>) dst(%dma_wait3A_516 : memref<128x16xf32, #tpu.memory_space<vmem>>)
    %dma_wait3A_523 = arith.constant 20 : i32
    %dma_wait3A_524 = arith.constant 2560 : i32
    %dma_wait3A_525 = arith.constant 0 : i32
    %dma_wait3A_526 = tpu.memref_slice %arg7[%dma_wait3A_524, %dma_wait3A_525] : memref<4096x16xf32, #tpu.memory_space<vmem>> -> memref<128x16xf32, #tpu.memory_space<vmem>>
    %dma_wait3A_527 = arith.constant 0 : i32
    %dma_wait3A_528 = tpu.memref_slice %arg6[%dma_wait3A_523, %dma_wait3A_527] : memref<32x128xi32, #tpu.memory_space<vmem>> -> memref<1x128xi32, #tpu.memory_space<vmem>>
    %dma_wait3A_529 = tpu.memref_squeeze %dma_wait3A_528 : memref<1x128xi32, #tpu.memory_space<vmem>> -> memref<128xi32, #tpu.memory_space<vmem>>
    %dma_wait3A_530 = arith.constant 0 : i32
    %dma_wait3A_531 = arith.constant 0 : i32
    %dma_wait3A_532 = tpu.memref_slice %arg2[%dma_wait3A_530, %dma_wait3A_531] : memref<1048576x16xf32, #tpu.memory_space<hbm>> -> memref<1048576x16xf32, #tpu.memory_space<hbm>>
    tpu.wait_indirect_dma semaphore(%arg10 : memref<!tpu.dma_semaphore, #tpu.memory_space<semaphore_mem>>) src(%dma_wait3A_532 : memref<1048576x16xf32, #tpu.memory_space<hbm>>) dst(%dma_wait3A_526 : memref<128x16xf32, #tpu.memory_space<vmem>>)
    %dma_wait3A_533 = arith.constant 21 : i32
    %dma_wait3A_534 = arith.constant 2688 : i32
    %dma_wait3A_535 = arith.constant 0 : i32
    %dma_wait3A_536 = tpu.memref_slice %arg7[%dma_wait3A_534, %dma_wait3A_535] : memref<4096x16xf32, #tpu.memory_space<vmem>> -> memref<128x16xf32, #tpu.memory_space<vmem>>
    %dma_wait3A_537 = arith.constant 0 : i32
    %dma_wait3A_538 = tpu.memref_slice %arg6[%dma_wait3A_533, %dma_wait3A_537] : memref<32x128xi32, #tpu.memory_space<vmem>> -> memref<1x128xi32, #tpu.memory_space<vmem>>
    %dma_wait3A_539 = tpu.memref_squeeze %dma_wait3A_538 : memref<1x128xi32, #tpu.memory_space<vmem>> -> memref<128xi32, #tpu.memory_space<vmem>>
    %dma_wait3A_540 = arith.constant 0 : i32
    %dma_wait3A_541 = arith.constant 0 : i32
    %dma_wait3A_542 = tpu.memref_slice %arg2[%dma_wait3A_540, %dma_wait3A_541] : memref<1048576x16xf32, #tpu.memory_space<hbm>> -> memref<1048576x16xf32, #tpu.memory_space<hbm>>
    tpu.wait_indirect_dma semaphore(%arg10 : memref<!tpu.dma_semaphore, #tpu.memory_space<semaphore_mem>>) src(%dma_wait3A_542 : memref<1048576x16xf32, #tpu.memory_space<hbm>>) dst(%dma_wait3A_536 : memref<128x16xf32, #tpu.memory_space<vmem>>)
    %dma_wait3A_543 = arith.constant 22 : i32
    %dma_wait3A_544 = arith.constant 2816 : i32
    %dma_wait3A_545 = arith.constant 0 : i32
    %dma_wait3A_546 = tpu.memref_slice %arg7[%dma_wait3A_544, %dma_wait3A_545] : memref<4096x16xf32, #tpu.memory_space<vmem>> -> memref<128x16xf32, #tpu.memory_space<vmem>>
    %dma_wait3A_547 = arith.constant 0 : i32
    %dma_wait3A_548 = tpu.memref_slice %arg6[%dma_wait3A_543, %dma_wait3A_547] : memref<32x128xi32, #tpu.memory_space<vmem>> -> memref<1x128xi32, #tpu.memory_space<vmem>>
    %dma_wait3A_549 = tpu.memref_squeeze %dma_wait3A_548 : memref<1x128xi32, #tpu.memory_space<vmem>> -> memref<128xi32, #tpu.memory_space<vmem>>
    %dma_wait3A_550 = arith.constant 0 : i32
    %dma_wait3A_551 = arith.constant 0 : i32
    %dma_wait3A_552 = tpu.memref_slice %arg2[%dma_wait3A_550, %dma_wait3A_551] : memref<1048576x16xf32, #tpu.memory_space<hbm>> -> memref<1048576x16xf32, #tpu.memory_space<hbm>>
    tpu.wait_indirect_dma semaphore(%arg10 : memref<!tpu.dma_semaphore, #tpu.memory_space<semaphore_mem>>) src(%dma_wait3A_552 : memref<1048576x16xf32, #tpu.memory_space<hbm>>) dst(%dma_wait3A_546 : memref<128x16xf32, #tpu.memory_space<vmem>>)
    %dma_wait3A_553 = arith.constant 23 : i32
    %dma_wait3A_554 = arith.constant 2944 : i32
    %dma_wait3A_555 = arith.constant 0 : i32
    %dma_wait3A_556 = tpu.memref_slice %arg7[%dma_wait3A_554, %dma_wait3A_555] : memref<4096x16xf32, #tpu.memory_space<vmem>> -> memref<128x16xf32, #tpu.memory_space<vmem>>
    %dma_wait3A_557 = arith.constant 0 : i32
    %dma_wait3A_558 = tpu.memref_slice %arg6[%dma_wait3A_553, %dma_wait3A_557] : memref<32x128xi32, #tpu.memory_space<vmem>> -> memref<1x128xi32, #tpu.memory_space<vmem>>
    %dma_wait3A_559 = tpu.memref_squeeze %dma_wait3A_558 : memref<1x128xi32, #tpu.memory_space<vmem>> -> memref<128xi32, #tpu.memory_space<vmem>>
    %dma_wait3A_560 = arith.constant 0 : i32
    %dma_wait3A_561 = arith.constant 0 : i32
    %dma_wait3A_562 = tpu.memref_slice %arg2[%dma_wait3A_560, %dma_wait3A_561] : memref<1048576x16xf32, #tpu.memory_space<hbm>> -> memref<1048576x16xf32, #tpu.memory_space<hbm>>
    tpu.wait_indirect_dma semaphore(%arg10 : memref<!tpu.dma_semaphore, #tpu.memory_space<semaphore_mem>>) src(%dma_wait3A_562 : memref<1048576x16xf32, #tpu.memory_space<hbm>>) dst(%dma_wait3A_556 : memref<128x16xf32, #tpu.memory_space<vmem>>)
    %dma_wait3A_563 = arith.constant 24 : i32
    %dma_wait3A_564 = arith.constant 3072 : i32
    %dma_wait3A_565 = arith.constant 0 : i32
    %dma_wait3A_566 = tpu.memref_slice %arg7[%dma_wait3A_564, %dma_wait3A_565] : memref<4096x16xf32, #tpu.memory_space<vmem>> -> memref<128x16xf32, #tpu.memory_space<vmem>>
    %dma_wait3A_567 = arith.constant 0 : i32
    %dma_wait3A_568 = tpu.memref_slice %arg6[%dma_wait3A_563, %dma_wait3A_567] : memref<32x128xi32, #tpu.memory_space<vmem>> -> memref<1x128xi32, #tpu.memory_space<vmem>>
    %dma_wait3A_569 = tpu.memref_squeeze %dma_wait3A_568 : memref<1x128xi32, #tpu.memory_space<vmem>> -> memref<128xi32, #tpu.memory_space<vmem>>
    %dma_wait3A_570 = arith.constant 0 : i32
    %dma_wait3A_571 = arith.constant 0 : i32
    %dma_wait3A_572 = tpu.memref_slice %arg2[%dma_wait3A_570, %dma_wait3A_571] : memref<1048576x16xf32, #tpu.memory_space<hbm>> -> memref<1048576x16xf32, #tpu.memory_space<hbm>>
    tpu.wait_indirect_dma semaphore(%arg10 : memref<!tpu.dma_semaphore, #tpu.memory_space<semaphore_mem>>) src(%dma_wait3A_572 : memref<1048576x16xf32, #tpu.memory_space<hbm>>) dst(%dma_wait3A_566 : memref<128x16xf32, #tpu.memory_space<vmem>>)
    %dma_wait3A_573 = arith.constant 25 : i32
    %dma_wait3A_574 = arith.constant 3200 : i32
    %dma_wait3A_575 = arith.constant 0 : i32
    %dma_wait3A_576 = tpu.memref_slice %arg7[%dma_wait3A_574, %dma_wait3A_575] : memref<4096x16xf32, #tpu.memory_space<vmem>> -> memref<128x16xf32, #tpu.memory_space<vmem>>
    %dma_wait3A_577 = arith.constant 0 : i32
    %dma_wait3A_578 = tpu.memref_slice %arg6[%dma_wait3A_573, %dma_wait3A_577] : memref<32x128xi32, #tpu.memory_space<vmem>> -> memref<1x128xi32, #tpu.memory_space<vmem>>
    %dma_wait3A_579 = tpu.memref_squeeze %dma_wait3A_578 : memref<1x128xi32, #tpu.memory_space<vmem>> -> memref<128xi32, #tpu.memory_space<vmem>>
    %dma_wait3A_580 = arith.constant 0 : i32
    %dma_wait3A_581 = arith.constant 0 : i32
    %dma_wait3A_582 = tpu.memref_slice %arg2[%dma_wait3A_580, %dma_wait3A_581] : memref<1048576x16xf32, #tpu.memory_space<hbm>> -> memref<1048576x16xf32, #tpu.memory_space<hbm>>
    tpu.wait_indirect_dma semaphore(%arg10 : memref<!tpu.dma_semaphore, #tpu.memory_space<semaphore_mem>>) src(%dma_wait3A_582 : memref<1048576x16xf32, #tpu.memory_space<hbm>>) dst(%dma_wait3A_576 : memref<128x16xf32, #tpu.memory_space<vmem>>)
    %dma_wait3A_583 = arith.constant 26 : i32
    %dma_wait3A_584 = arith.constant 3328 : i32
    %dma_wait3A_585 = arith.constant 0 : i32
    %dma_wait3A_586 = tpu.memref_slice %arg7[%dma_wait3A_584, %dma_wait3A_585] : memref<4096x16xf32, #tpu.memory_space<vmem>> -> memref<128x16xf32, #tpu.memory_space<vmem>>
    %dma_wait3A_587 = arith.constant 0 : i32
    %dma_wait3A_588 = tpu.memref_slice %arg6[%dma_wait3A_583, %dma_wait3A_587] : memref<32x128xi32, #tpu.memory_space<vmem>> -> memref<1x128xi32, #tpu.memory_space<vmem>>
    %dma_wait3A_589 = tpu.memref_squeeze %dma_wait3A_588 : memref<1x128xi32, #tpu.memory_space<vmem>> -> memref<128xi32, #tpu.memory_space<vmem>>
    %dma_wait3A_590 = arith.constant 0 : i32
    %dma_wait3A_591 = arith.constant 0 : i32
    %dma_wait3A_592 = tpu.memref_slice %arg2[%dma_wait3A_590, %dma_wait3A_591] : memref<1048576x16xf32, #tpu.memory_space<hbm>> -> memref<1048576x16xf32, #tpu.memory_space<hbm>>
    tpu.wait_indirect_dma semaphore(%arg10 : memref<!tpu.dma_semaphore, #tpu.memory_space<semaphore_mem>>) src(%dma_wait3A_592 : memref<1048576x16xf32, #tpu.memory_space<hbm>>) dst(%dma_wait3A_586 : memref<128x16xf32, #tpu.memory_space<vmem>>)
    %dma_wait3A_593 = arith.constant 27 : i32
    %dma_wait3A_594 = arith.constant 3456 : i32
    %dma_wait3A_595 = arith.constant 0 : i32
    %dma_wait3A_596 = tpu.memref_slice %arg7[%dma_wait3A_594, %dma_wait3A_595] : memref<4096x16xf32, #tpu.memory_space<vmem>> -> memref<128x16xf32, #tpu.memory_space<vmem>>
    %dma_wait3A_597 = arith.constant 0 : i32
    %dma_wait3A_598 = tpu.memref_slice %arg6[%dma_wait3A_593, %dma_wait3A_597] : memref<32x128xi32, #tpu.memory_space<vmem>> -> memref<1x128xi32, #tpu.memory_space<vmem>>
    %dma_wait3A_599 = tpu.memref_squeeze %dma_wait3A_598 : memref<1x128xi32, #tpu.memory_space<vmem>> -> memref<128xi32, #tpu.memory_space<vmem>>
    %dma_wait3A_600 = arith.constant 0 : i32
    %dma_wait3A_601 = arith.constant 0 : i32
    %dma_wait3A_602 = tpu.memref_slice %arg2[%dma_wait3A_600, %dma_wait3A_601] : memref<1048576x16xf32, #tpu.memory_space<hbm>> -> memref<1048576x16xf32, #tpu.memory_space<hbm>>
    tpu.wait_indirect_dma semaphore(%arg10 : memref<!tpu.dma_semaphore, #tpu.memory_space<semaphore_mem>>) src(%dma_wait3A_602 : memref<1048576x16xf32, #tpu.memory_space<hbm>>) dst(%dma_wait3A_596 : memref<128x16xf32, #tpu.memory_space<vmem>>)
    %dma_wait3A_603 = arith.constant 28 : i32
    %dma_wait3A_604 = arith.constant 3584 : i32
    %dma_wait3A_605 = arith.constant 0 : i32
    %dma_wait3A_606 = tpu.memref_slice %arg7[%dma_wait3A_604, %dma_wait3A_605] : memref<4096x16xf32, #tpu.memory_space<vmem>> -> memref<128x16xf32, #tpu.memory_space<vmem>>
    %dma_wait3A_607 = arith.constant 0 : i32
    %dma_wait3A_608 = tpu.memref_slice %arg6[%dma_wait3A_603, %dma_wait3A_607] : memref<32x128xi32, #tpu.memory_space<vmem>> -> memref<1x128xi32, #tpu.memory_space<vmem>>
    %dma_wait3A_609 = tpu.memref_squeeze %dma_wait3A_608 : memref<1x128xi32, #tpu.memory_space<vmem>> -> memref<128xi32, #tpu.memory_space<vmem>>
    %dma_wait3A_610 = arith.constant 0 : i32
    %dma_wait3A_611 = arith.constant 0 : i32
    %dma_wait3A_612 = tpu.memref_slice %arg2[%dma_wait3A_610, %dma_wait3A_611] : memref<1048576x16xf32, #tpu.memory_space<hbm>> -> memref<1048576x16xf32, #tpu.memory_space<hbm>>
    tpu.wait_indirect_dma semaphore(%arg10 : memref<!tpu.dma_semaphore, #tpu.memory_space<semaphore_mem>>) src(%dma_wait3A_612 : memref<1048576x16xf32, #tpu.memory_space<hbm>>) dst(%dma_wait3A_606 : memref<128x16xf32, #tpu.memory_space<vmem>>)
    %dma_wait3A_613 = arith.constant 29 : i32
    %dma_wait3A_614 = arith.constant 3712 : i32
    %dma_wait3A_615 = arith.constant 0 : i32
    %dma_wait3A_616 = tpu.memref_slice %arg7[%dma_wait3A_614, %dma_wait3A_615] : memref<4096x16xf32, #tpu.memory_space<vmem>> -> memref<128x16xf32, #tpu.memory_space<vmem>>
    %dma_wait3A_617 = arith.constant 0 : i32
    %dma_wait3A_618 = tpu.memref_slice %arg6[%dma_wait3A_613, %dma_wait3A_617] : memref<32x128xi32, #tpu.memory_space<vmem>> -> memref<1x128xi32, #tpu.memory_space<vmem>>
    %dma_wait3A_619 = tpu.memref_squeeze %dma_wait3A_618 : memref<1x128xi32, #tpu.memory_space<vmem>> -> memref<128xi32, #tpu.memory_space<vmem>>
    %dma_wait3A_620 = arith.constant 0 : i32
    %dma_wait3A_621 = arith.constant 0 : i32
    %dma_wait3A_622 = tpu.memref_slice %arg2[%dma_wait3A_620, %dma_wait3A_621] : memref<1048576x16xf32, #tpu.memory_space<hbm>> -> memref<1048576x16xf32, #tpu.memory_space<hbm>>
    tpu.wait_indirect_dma semaphore(%arg10 : memref<!tpu.dma_semaphore, #tpu.memory_space<semaphore_mem>>) src(%dma_wait3A_622 : memref<1048576x16xf32, #tpu.memory_space<hbm>>) dst(%dma_wait3A_616 : memref<128x16xf32, #tpu.memory_space<vmem>>)
    %dma_wait3A_623 = arith.constant 30 : i32
    %dma_wait3A_624 = arith.constant 3840 : i32
    %dma_wait3A_625 = arith.constant 0 : i32
    %dma_wait3A_626 = tpu.memref_slice %arg7[%dma_wait3A_624, %dma_wait3A_625] : memref<4096x16xf32, #tpu.memory_space<vmem>> -> memref<128x16xf32, #tpu.memory_space<vmem>>
    %dma_wait3A_627 = arith.constant 0 : i32
    %dma_wait3A_628 = tpu.memref_slice %arg6[%dma_wait3A_623, %dma_wait3A_627] : memref<32x128xi32, #tpu.memory_space<vmem>> -> memref<1x128xi32, #tpu.memory_space<vmem>>
    %dma_wait3A_629 = tpu.memref_squeeze %dma_wait3A_628 : memref<1x128xi32, #tpu.memory_space<vmem>> -> memref<128xi32, #tpu.memory_space<vmem>>
    %dma_wait3A_630 = arith.constant 0 : i32
    %dma_wait3A_631 = arith.constant 0 : i32
    %dma_wait3A_632 = tpu.memref_slice %arg2[%dma_wait3A_630, %dma_wait3A_631] : memref<1048576x16xf32, #tpu.memory_space<hbm>> -> memref<1048576x16xf32, #tpu.memory_space<hbm>>
    tpu.wait_indirect_dma semaphore(%arg10 : memref<!tpu.dma_semaphore, #tpu.memory_space<semaphore_mem>>) src(%dma_wait3A_632 : memref<1048576x16xf32, #tpu.memory_space<hbm>>) dst(%dma_wait3A_626 : memref<128x16xf32, #tpu.memory_space<vmem>>)
    %dma_wait3A_633 = arith.constant 31 : i32
    %dma_wait3A_634 = arith.constant 3968 : i32
    %dma_wait3A_635 = arith.constant 0 : i32
    %dma_wait3A_636 = tpu.memref_slice %arg7[%dma_wait3A_634, %dma_wait3A_635] : memref<4096x16xf32, #tpu.memory_space<vmem>> -> memref<128x16xf32, #tpu.memory_space<vmem>>
    %dma_wait3A_637 = arith.constant 0 : i32
    %dma_wait3A_638 = tpu.memref_slice %arg6[%dma_wait3A_633, %dma_wait3A_637] : memref<32x128xi32, #tpu.memory_space<vmem>> -> memref<1x128xi32, #tpu.memory_space<vmem>>
    %dma_wait3A_639 = tpu.memref_squeeze %dma_wait3A_638 : memref<1x128xi32, #tpu.memory_space<vmem>> -> memref<128xi32, #tpu.memory_space<vmem>>
    %dma_wait3A_640 = arith.constant 0 : i32
    %dma_wait3A_641 = arith.constant 0 : i32
    %dma_wait3A_642 = tpu.memref_slice %arg2[%dma_wait3A_640, %dma_wait3A_641] : memref<1048576x16xf32, #tpu.memory_space<hbm>> -> memref<1048576x16xf32, #tpu.memory_space<hbm>>
    tpu.wait_indirect_dma semaphore(%arg10 : memref<!tpu.dma_semaphore, #tpu.memory_space<semaphore_mem>>) src(%dma_wait3A_642 : memref<1048576x16xf32, #tpu.memory_space<hbm>>) dst(%dma_wait3A_636 : memref<128x16xf32, #tpu.memory_space<vmem>>)
    %scan3A = arith.constant 0 : i32
    %scan3A_643 = arith.constant 0 : i32
    %scan3A_644 = arith.constant 256 : i32
    %scan3A_645 = arith.addi %scan3A_643, %scan3A_644 : i32
    %scan3A_646 = arith.constant 1 : i32
    %scan3A_647 = scf.for %scan3A_651 = %scan3A_643 to %scan3A_645 step %scan3A_646 iter_args(%scan3A_652 = %scan3A) -> (i32)  : i32 {
      %mul3A_653 = arith.constant 16 : i32
      %mul3A_654 = arith.muli %scan3A_651, %mul3A_653 : i32
      %get3A = arith.index_cast %mul3A_654 : i32 to index
      %get3A_655 = tpu.vector_load %arg8[%get3A] {strides = array<i32>} : memref<4096xf32, #tpu.memory_space<vmem>>, vector<16xf32>,
      %get3A_656 = vector.shape_cast %get3A_655 : vector<16xf32> to vector<16xf32>
      %broadcast_in_dim3A = arith.constant 0.000000e+00 : f32
      %broadcast_in_dim3A_657 = vector.broadcast %broadcast_in_dim3A : f32 to vector<16xf32>
      %broadcast_in_dim3A_658 = arith.constant 0 : i32
      %broadcast_in_dim3A_659 = vector.broadcast %broadcast_in_dim3A_658 : i32 to vector<16x1xi32>
      %gather3A = vector.shape_cast %broadcast_in_dim3A_659 : vector<16x1xi32> to vector<16xi32>
      %gather3A_660 = tpu.dynamic_gather %get3A_656[%gather3A] in [0] : vector<16xf32>, vector<16xi32> -> vector<16xf32>
      %mul3A_661 = arith.constant 16 : i32
      %mul3A_662 = arith.muli %scan3A_651, %mul3A_661 : i32
      %add3A_663 = arith.constant 0 : i32
      %add3A_664 = arith.addi %mul3A_662, %add3A_663 : i32
      %add3A_665 = arith.constant 0 : i32
      %add3A_666 = arith.addi %add3A_664, %add3A_665 : i32
      %get3A_667 = arith.index_cast %add3A_666 : i32 to index
      %get3A_668 = arith.constant 0 : index
      %get3A_669 = tpu.vector_load %arg7[%get3A_667, %get3A_668] {strides = array<i32>} : memref<4096x16xf32, #tpu.memory_space<vmem>>, vector<1x16xf32>,
      %get3A_670 = vector.shape_cast %get3A_669 : vector<1x16xf32> to vector<16xf32>
      %mul3A_671 = arith.mulf %get3A_670, %gather3A_660 : vector<16xf32>
      %add3A_672 = arith.addf %broadcast_in_dim3A_657, %mul3A_671 : vector<16xf32>
      %broadcast_in_dim3A_673 = arith.constant 1 : i32
      %broadcast_in_dim3A_674 = vector.broadcast %broadcast_in_dim3A_673 : i32 to vector<16x1xi32>
      %gather3A_675 = vector.shape_cast %broadcast_in_dim3A_674 : vector<16x1xi32> to vector<16xi32>
      %gather3A_676 = tpu.dynamic_gather %get3A_656[%gather3A_675] in [0] : vector<16xf32>, vector<16xi32> -> vector<16xf32>
      %mul3A_677 = arith.constant 16 : i32
      %mul3A_678 = arith.muli %scan3A_651, %mul3A_677 : i32
      %add3A_679 = arith.constant 0 : i32
      %add3A_680 = arith.addi %mul3A_678, %add3A_679 : i32
      %add3A_681 = arith.constant 1 : i32
      %add3A_682 = arith.addi %add3A_680, %add3A_681 : i32
      %get3A_683 = arith.index_cast %add3A_682 : i32 to index
      %get3A_684 = arith.constant 0 : index
      %get3A_685 = tpu.vector_load %arg7[%get3A_683, %get3A_684] {strides = array<i32>} : memref<4096x16xf32, #tpu.memory_space<vmem>>, vector<1x16xf32>,
      %get3A_686 = vector.shape_cast %get3A_685 : vector<1x16xf32> to vector<16xf32>
      %mul3A_687 = arith.mulf %get3A_686, %gather3A_676 : vector<16xf32>
      %add3A_688 = arith.addf %add3A_672, %mul3A_687 : vector<16xf32>
      %broadcast_in_dim3A_689 = arith.constant 2 : i32
      %broadcast_in_dim3A_690 = vector.broadcast %broadcast_in_dim3A_689 : i32 to vector<16x1xi32>
      %gather3A_691 = vector.shape_cast %broadcast_in_dim3A_690 : vector<16x1xi32> to vector<16xi32>
      %gather3A_692 = tpu.dynamic_gather %get3A_656[%gather3A_691] in [0] : vector<16xf32>, vector<16xi32> -> vector<16xf32>
      %mul3A_693 = arith.constant 16 : i32
      %mul3A_694 = arith.muli %scan3A_651, %mul3A_693 : i32
      %add3A_695 = arith.constant 0 : i32
      %add3A_696 = arith.addi %mul3A_694, %add3A_695 : i32
      %add3A_697 = arith.constant 2 : i32
      %add3A_698 = arith.addi %add3A_696, %add3A_697 : i32
      %get3A_699 = arith.index_cast %add3A_698 : i32 to index
      %get3A_700 = arith.constant 0 : index
      %get3A_701 = tpu.vector_load %arg7[%get3A_699, %get3A_700] {strides = array<i32>} : memref<4096x16xf32, #tpu.memory_space<vmem>>, vector<1x16xf32>,
      %get3A_702 = vector.shape_cast %get3A_701 : vector<1x16xf32> to vector<16xf32>
      %mul3A_703 = arith.mulf %get3A_702, %gather3A_692 : vector<16xf32>
      %add3A_704 = arith.addf %add3A_688, %mul3A_703 : vector<16xf32>
      %broadcast_in_dim3A_705 = arith.constant 3 : i32
      %broadcast_in_dim3A_706 = vector.broadcast %broadcast_in_dim3A_705 : i32 to vector<16x1xi32>
      %gather3A_707 = vector.shape_cast %broadcast_in_dim3A_706 : vector<16x1xi32> to vector<16xi32>
      %gather3A_708 = tpu.dynamic_gather %get3A_656[%gather3A_707] in [0] : vector<16xf32>, vector<16xi32> -> vector<16xf32>
      %mul3A_709 = arith.constant 16 : i32
      %mul3A_710 = arith.muli %scan3A_651, %mul3A_709 : i32
      %add3A_711 = arith.constant 0 : i32
      %add3A_712 = arith.addi %mul3A_710, %add3A_711 : i32
      %add3A_713 = arith.constant 3 : i32
      %add3A_714 = arith.addi %add3A_712, %add3A_713 : i32
      %get3A_715 = arith.index_cast %add3A_714 : i32 to index
      %get3A_716 = arith.constant 0 : index
      %get3A_717 = tpu.vector_load %arg7[%get3A_715, %get3A_716] {strides = array<i32>} : memref<4096x16xf32, #tpu.memory_space<vmem>>, vector<1x16xf32>,
      %get3A_718 = vector.shape_cast %get3A_717 : vector<1x16xf32> to vector<16xf32>
      %mul3A_719 = arith.mulf %get3A_718, %gather3A_708 : vector<16xf32>
      %add3A_720 = arith.addf %add3A_704, %mul3A_719 : vector<16xf32>
      %broadcast_in_dim3A_721 = arith.constant 4 : i32
      %broadcast_in_dim3A_722 = vector.broadcast %broadcast_in_dim3A_721 : i32 to vector<16x1xi32>
      %gather3A_723 = vector.shape_cast %broadcast_in_dim3A_722 : vector<16x1xi32> to vector<16xi32>
      %gather3A_724 = tpu.dynamic_gather %get3A_656[%gather3A_723] in [0] : vector<16xf32>, vector<16xi32> -> vector<16xf32>
      %mul3A_725 = arith.constant 16 : i32
      %mul3A_726 = arith.muli %scan3A_651, %mul3A_725 : i32
      %add3A_727 = arith.constant 0 : i32
      %add3A_728 = arith.addi %mul3A_726, %add3A_727 : i32
      %add3A_729 = arith.constant 4 : i32
      %add3A_730 = arith.addi %add3A_728, %add3A_729 : i32
      %get3A_731 = arith.index_cast %add3A_730 : i32 to index
      %get3A_732 = arith.constant 0 : index
      %get3A_733 = tpu.vector_load %arg7[%get3A_731, %get3A_732] {strides = array<i32>} : memref<4096x16xf32, #tpu.memory_space<vmem>>, vector<1x16xf32>,
      %get3A_734 = vector.shape_cast %get3A_733 : vector<1x16xf32> to vector<16xf32>
      %mul3A_735 = arith.mulf %get3A_734, %gather3A_724 : vector<16xf32>
      %add3A_736 = arith.addf %add3A_720, %mul3A_735 : vector<16xf32>
      %broadcast_in_dim3A_737 = arith.constant 5 : i32
      %broadcast_in_dim3A_738 = vector.broadcast %broadcast_in_dim3A_737 : i32 to vector<16x1xi32>
      %gather3A_739 = vector.shape_cast %broadcast_in_dim3A_738 : vector<16x1xi32> to vector<16xi32>
      %gather3A_740 = tpu.dynamic_gather %get3A_656[%gather3A_739] in [0] : vector<16xf32>, vector<16xi32> -> vector<16xf32>
      %mul3A_741 = arith.constant 16 : i32
      %mul3A_742 = arith.muli %scan3A_651, %mul3A_741 : i32
      %add3A_743 = arith.constant 0 : i32
      %add3A_744 = arith.addi %mul3A_742, %add3A_743 : i32
      %add3A_745 = arith.constant 5 : i32
      %add3A_746 = arith.addi %add3A_744, %add3A_745 : i32
      %get3A_747 = arith.index_cast %add3A_746 : i32 to index
      %get3A_748 = arith.constant 0 : index
      %get3A_749 = tpu.vector_load %arg7[%get3A_747, %get3A_748] {strides = array<i32>} : memref<4096x16xf32, #tpu.memory_space<vmem>>, vector<1x16xf32>,
      %get3A_750 = vector.shape_cast %get3A_749 : vector<1x16xf32> to vector<16xf32>
      %mul3A_751 = arith.mulf %get3A_750, %gather3A_740 : vector<16xf32>
      %add3A_752 = arith.addf %add3A_736, %mul3A_751 : vector<16xf32>
      %broadcast_in_dim3A_753 = arith.constant 6 : i32
      %broadcast_in_dim3A_754 = vector.broadcast %broadcast_in_dim3A_753 : i32 to vector<16x1xi32>
      %gather3A_755 = vector.shape_cast %broadcast_in_dim3A_754 : vector<16x1xi32> to vector<16xi32>
      %gather3A_756 = tpu.dynamic_gather %get3A_656[%gather3A_755] in [0] : vector<16xf32>, vector<16xi32> -> vector<16xf32>
      %mul3A_757 = arith.constant 16 : i32
      %mul3A_758 = arith.muli %scan3A_651, %mul3A_757 : i32
      %add3A_759 = arith.constant 0 : i32
      %add3A_760 = arith.addi %mul3A_758, %add3A_759 : i32
      %add3A_761 = arith.constant 6 : i32
      %add3A_762 = arith.addi %add3A_760, %add3A_761 : i32
      %get3A_763 = arith.index_cast %add3A_762 : i32 to index
      %get3A_764 = arith.constant 0 : index
      %get3A_765 = tpu.vector_load %arg7[%get3A_763, %get3A_764] {strides = array<i32>} : memref<4096x16xf32, #tpu.memory_space<vmem>>, vector<1x16xf32>,
      %get3A_766 = vector.shape_cast %get3A_765 : vector<1x16xf32> to vector<16xf32>
      %mul3A_767 = arith.mulf %get3A_766, %gather3A_756 : vector<16xf32>
      %add3A_768 = arith.addf %add3A_752, %mul3A_767 : vector<16xf32>
      %broadcast_in_dim3A_769 = arith.constant 7 : i32
      %broadcast_in_dim3A_770 = vector.broadcast %broadcast_in_dim3A_769 : i32 to vector<16x1xi32>
      %gather3A_771 = vector.shape_cast %broadcast_in_dim3A_770 : vector<16x1xi32> to vector<16xi32>
      %gather3A_772 = tpu.dynamic_gather %get3A_656[%gather3A_771] in [0] : vector<16xf32>, vector<16xi32> -> vector<16xf32>
      %mul3A_773 = arith.constant 16 : i32
      %mul3A_774 = arith.muli %scan3A_651, %mul3A_773 : i32
      %add3A_775 = arith.constant 0 : i32
      %add3A_776 = arith.addi %mul3A_774, %add3A_775 : i32
      %add3A_777 = arith.constant 7 : i32
      %add3A_778 = arith.addi %add3A_776, %add3A_777 : i32
      %get3A_779 = arith.index_cast %add3A_778 : i32 to index
      %get3A_780 = arith.constant 0 : index
      %get3A_781 = tpu.vector_load %arg7[%get3A_779, %get3A_780] {strides = array<i32>} : memref<4096x16xf32, #tpu.memory_space<vmem>>, vector<1x16xf32>,
      %get3A_782 = vector.shape_cast %get3A_781 : vector<1x16xf32> to vector<16xf32>
      %mul3A_783 = arith.mulf %get3A_782, %gather3A_772 : vector<16xf32>
      %add3A_784 = arith.addf %add3A_768, %mul3A_783 : vector<16xf32>
      %mul3A_785 = arith.constant 2 : i32
      %mul3A_786 = arith.muli %mul3A_785, %scan3A_651 : i32
      %add3A_787 = arith.constant 0 : i32
      %add3A_788 = arith.addi %mul3A_786, %add3A_787 : i32
      %swap3A = arith.index_cast %add3A_788 : i32 to index
      %swap3A_789 = arith.constant 0 : index
      %swap3A_790 = tpu.vector_load %arg9[%swap3A, %swap3A_789] {strides = array<i32>} : memref<512x16xf32, #tpu.memory_space<vmem>>, vector<1x16xf32>,
      %swap3A_791 = vector.shape_cast %swap3A_790 : vector<1x16xf32> to vector<16xf32>
      %swap3A_792 = vector.shape_cast %add3A_784 : vector<16xf32> to vector<1x16xf32>
      tpu.vector_store %arg9[%swap3A, %swap3A_789], %swap3A_792 {strides = array<i32>} : memref<512x16xf32, #tpu.memory_space<vmem>>, vector<1x16xf32>,
      %broadcast_in_dim3A_793 = arith.constant 0.000000e+00 : f32
      %broadcast_in_dim3A_794 = vector.broadcast %broadcast_in_dim3A_793 : f32 to vector<16xf32>
      %broadcast_in_dim3A_795 = arith.constant 8 : i32
      %broadcast_in_dim3A_796 = vector.broadcast %broadcast_in_dim3A_795 : i32 to vector<16x1xi32>
      %gather3A_797 = vector.shape_cast %broadcast_in_dim3A_796 : vector<16x1xi32> to vector<16xi32>
      %gather3A_798 = tpu.dynamic_gather %get3A_656[%gather3A_797] in [0] : vector<16xf32>, vector<16xi32> -> vector<16xf32>
      %mul3A_799 = arith.constant 16 : i32
      %mul3A_800 = arith.muli %scan3A_651, %mul3A_799 : i32
      %add3A_801 = arith.constant 8 : i32
      %add3A_802 = arith.addi %mul3A_800, %add3A_801 : i32
      %add3A_803 = arith.constant 0 : i32
      %add3A_804 = arith.addi %add3A_802, %add3A_803 : i32
      %get3A_805 = arith.index_cast %add3A_804 : i32 to index
      %get3A_806 = arith.constant 0 : index
      %get3A_807 = tpu.vector_load %arg7[%get3A_805, %get3A_806] {strides = array<i32>} : memref<4096x16xf32, #tpu.memory_space<vmem>>, vector<1x16xf32>,
      %get3A_808 = vector.shape_cast %get3A_807 : vector<1x16xf32> to vector<16xf32>
      %mul3A_809 = arith.mulf %get3A_808, %gather3A_798 : vector<16xf32>
      %add3A_810 = arith.addf %broadcast_in_dim3A_794, %mul3A_809 : vector<16xf32>
      %broadcast_in_dim3A_811 = arith.constant 9 : i32
      %broadcast_in_dim3A_812 = vector.broadcast %broadcast_in_dim3A_811 : i32 to vector<16x1xi32>
      %gather3A_813 = vector.shape_cast %broadcast_in_dim3A_812 : vector<16x1xi32> to vector<16xi32>
      %gather3A_814 = tpu.dynamic_gather %get3A_656[%gather3A_813] in [0] : vector<16xf32>, vector<16xi32> -> vector<16xf32>
      %mul3A_815 = arith.constant 16 : i32
      %mul3A_816 = arith.muli %scan3A_651, %mul3A_815 : i32
      %add3A_817 = arith.constant 8 : i32
      %add3A_818 = arith.addi %mul3A_816, %add3A_817 : i32
      %add3A_819 = arith.constant 1 : i32
      %add3A_820 = arith.addi %add3A_818, %add3A_819 : i32
      %get3A_821 = arith.index_cast %add3A_820 : i32 to index
      %get3A_822 = arith.constant 0 : index
      %get3A_823 = tpu.vector_load %arg7[%get3A_821, %get3A_822] {strides = array<i32>} : memref<4096x16xf32, #tpu.memory_space<vmem>>, vector<1x16xf32>,
      %get3A_824 = vector.shape_cast %get3A_823 : vector<1x16xf32> to vector<16xf32>
      %mul3A_825 = arith.mulf %get3A_824, %gather3A_814 : vector<16xf32>
      %add3A_826 = arith.addf %add3A_810, %mul3A_825 : vector<16xf32>
      %broadcast_in_dim3A_827 = arith.constant 10 : i32
      %broadcast_in_dim3A_828 = vector.broadcast %broadcast_in_dim3A_827 : i32 to vector<16x1xi32>
      %gather3A_829 = vector.shape_cast %broadcast_in_dim3A_828 : vector<16x1xi32> to vector<16xi32>
      %gather3A_830 = tpu.dynamic_gather %get3A_656[%gather3A_829] in [0] : vector<16xf32>, vector<16xi32> -> vector<16xf32>
      %mul3A_831 = arith.constant 16 : i32
      %mul3A_832 = arith.muli %scan3A_651, %mul3A_831 : i32
      %add3A_833 = arith.constant 8 : i32
      %add3A_834 = arith.addi %mul3A_832, %add3A_833 : i32
      %add3A_835 = arith.constant 2 : i32
      %add3A_836 = arith.addi %add3A_834, %add3A_835 : i32
      %get3A_837 = arith.index_cast %add3A_836 : i32 to index
      %get3A_838 = arith.constant 0 : index
      %get3A_839 = tpu.vector_load %arg7[%get3A_837, %get3A_838] {strides = array<i32>} : memref<4096x16xf32, #tpu.memory_space<vmem>>, vector<1x16xf32>,
      %get3A_840 = vector.shape_cast %get3A_839 : vector<1x16xf32> to vector<16xf32>
      %mul3A_841 = arith.mulf %get3A_840, %gather3A_830 : vector<16xf32>
      %add3A_842 = arith.addf %add3A_826, %mul3A_841 : vector<16xf32>
      %broadcast_in_dim3A_843 = arith.constant 11 : i32
      %broadcast_in_dim3A_844 = vector.broadcast %broadcast_in_dim3A_843 : i32 to vector<16x1xi32>
      %gather3A_845 = vector.shape_cast %broadcast_in_dim3A_844 : vector<16x1xi32> to vector<16xi32>
      %gather3A_846 = tpu.dynamic_gather %get3A_656[%gather3A_845] in [0] : vector<16xf32>, vector<16xi32> -> vector<16xf32>
      %mul3A_847 = arith.constant 16 : i32
      %mul3A_848 = arith.muli %scan3A_651, %mul3A_847 : i32
      %add3A_849 = arith.constant 8 : i32
      %add3A_850 = arith.addi %mul3A_848, %add3A_849 : i32
      %add3A_851 = arith.constant 3 : i32
      %add3A_852 = arith.addi %add3A_850, %add3A_851 : i32
      %get3A_853 = arith.index_cast %add3A_852 : i32 to index
      %get3A_854 = arith.constant 0 : index
      %get3A_855 = tpu.vector_load %arg7[%get3A_853, %get3A_854] {strides = array<i32>} : memref<4096x16xf32, #tpu.memory_space<vmem>>, vector<1x16xf32>,
      %get3A_856 = vector.shape_cast %get3A_855 : vector<1x16xf32> to vector<16xf32>
      %mul3A_857 = arith.mulf %get3A_856, %gather3A_846 : vector<16xf32>
      %add3A_858 = arith.addf %add3A_842, %mul3A_857 : vector<16xf32>
      %broadcast_in_dim3A_859 = arith.constant 12 : i32
      %broadcast_in_dim3A_860 = vector.broadcast %broadcast_in_dim3A_859 : i32 to vector<16x1xi32>
      %gather3A_861 = vector.shape_cast %broadcast_in_dim3A_860 : vector<16x1xi32> to vector<16xi32>
      %gather3A_862 = tpu.dynamic_gather %get3A_656[%gather3A_861] in [0] : vector<16xf32>, vector<16xi32> -> vector<16xf32>
      %mul3A_863 = arith.constant 16 : i32
      %mul3A_864 = arith.muli %scan3A_651, %mul3A_863 : i32
      %add3A_865 = arith.constant 8 : i32
      %add3A_866 = arith.addi %mul3A_864, %add3A_865 : i32
      %add3A_867 = arith.constant 4 : i32
      %add3A_868 = arith.addi %add3A_866, %add3A_867 : i32
      %get3A_869 = arith.index_cast %add3A_868 : i32 to index
      %get3A_870 = arith.constant 0 : index
      %get3A_871 = tpu.vector_load %arg7[%get3A_869, %get3A_870] {strides = array<i32>} : memref<4096x16xf32, #tpu.memory_space<vmem>>, vector<1x16xf32>,
      %get3A_872 = vector.shape_cast %get3A_871 : vector<1x16xf32> to vector<16xf32>
      %mul3A_873 = arith.mulf %get3A_872, %gather3A_862 : vector<16xf32>
      %add3A_874 = arith.addf %add3A_858, %mul3A_873 : vector<16xf32>
      %broadcast_in_dim3A_875 = arith.constant 13 : i32
      %broadcast_in_dim3A_876 = vector.broadcast %broadcast_in_dim3A_875 : i32 to vector<16x1xi32>
      %gather3A_877 = vector.shape_cast %broadcast_in_dim3A_876 : vector<16x1xi32> to vector<16xi32>
      %gather3A_878 = tpu.dynamic_gather %get3A_656[%gather3A_877] in [0] : vector<16xf32>, vector<16xi32> -> vector<16xf32>
      %mul3A_879 = arith.constant 16 : i32
      %mul3A_880 = arith.muli %scan3A_651, %mul3A_879 : i32
      %add3A_881 = arith.constant 8 : i32
      %add3A_882 = arith.addi %mul3A_880, %add3A_881 : i32
      %add3A_883 = arith.constant 5 : i32
      %add3A_884 = arith.addi %add3A_882, %add3A_883 : i32
      %get3A_885 = arith.index_cast %add3A_884 : i32 to index
      %get3A_886 = arith.constant 0 : index
      %get3A_887 = tpu.vector_load %arg7[%get3A_885, %get3A_886] {strides = array<i32>} : memref<4096x16xf32, #tpu.memory_space<vmem>>, vector<1x16xf32>,
      %get3A_888 = vector.shape_cast %get3A_887 : vector<1x16xf32> to vector<16xf32>
      %mul3A_889 = arith.mulf %get3A_888, %gather3A_878 : vector<16xf32>
      %add3A_890 = arith.addf %add3A_874, %mul3A_889 : vector<16xf32>
      %broadcast_in_dim3A_891 = arith.constant 14 : i32
      %broadcast_in_dim3A_892 = vector.broadcast %broadcast_in_dim3A_891 : i32 to vector<16x1xi32>
      %gather3A_893 = vector.shape_cast %broadcast_in_dim3A_892 : vector<16x1xi32> to vector<16xi32>
      %gather3A_894 = tpu.dynamic_gather %get3A_656[%gather3A_893] in [0] : vector<16xf32>, vector<16xi32> -> vector<16xf32>
      %mul3A_895 = arith.constant 16 : i32
      %mul3A_896 = arith.muli %scan3A_651, %mul3A_895 : i32
      %add3A_897 = arith.constant 8 : i32
      %add3A_898 = arith.addi %mul3A_896, %add3A_897 : i32
      %add3A_899 = arith.constant 6 : i32
      %add3A_900 = arith.addi %add3A_898, %add3A_899 : i32
      %get3A_901 = arith.index_cast %add3A_900 : i32 to index
      %get3A_902 = arith.constant 0 : index
      %get3A_903 = tpu.vector_load %arg7[%get3A_901, %get3A_902] {strides = array<i32>} : memref<4096x16xf32, #tpu.memory_space<vmem>>, vector<1x16xf32>,
      %get3A_904 = vector.shape_cast %get3A_903 : vector<1x16xf32> to vector<16xf32>
      %mul3A_905 = arith.mulf %get3A_904, %gather3A_894 : vector<16xf32>
      %add3A_906 = arith.addf %add3A_890, %mul3A_905 : vector<16xf32>
      %broadcast_in_dim3A_907 = arith.constant 15 : i32
      %broadcast_in_dim3A_908 = vector.broadcast %broadcast_in_dim3A_907 : i32 to vector<16x1xi32>
      %gather3A_909 = vector.shape_cast %broadcast_in_dim3A_908 : vector<16x1xi32> to vector<16xi32>
      %gather3A_910 = tpu.dynamic_gather %get3A_656[%gather3A_909] in [0] : vector<16xf32>, vector<16xi32> -> vector<16xf32>
      %mul3A_911 = arith.constant 16 : i32
      %mul3A_912 = arith.muli %scan3A_651, %mul3A_911 : i32
      %add3A_913 = arith.constant 8 : i32
      %add3A_914 = arith.addi %mul3A_912, %add3A_913 : i32
      %add3A_915 = arith.constant 7 : i32
      %add3A_916 = arith.addi %add3A_914, %add3A_915 : i32
      %get3A_917 = arith.index_cast %add3A_916 : i32 to index
      %get3A_918 = arith.constant 0 : index
      %get3A_919 = tpu.vector_load %arg7[%get3A_917, %get3A_918] {strides = array<i32>} : memref<4096x16xf32, #tpu.memory_space<vmem>>, vector<1x16xf32>,
      %get3A_920 = vector.shape_cast %get3A_919 : vector<1x16xf32> to vector<16xf32>
      %mul3A_921 = arith.mulf %get3A_920, %gather3A_910 : vector<16xf32>
      %add3A_922 = arith.addf %add3A_906, %mul3A_921 : vector<16xf32>
      %mul3A_923 = arith.constant 2 : i32
      %mul3A_924 = arith.muli %mul3A_923, %scan3A_651 : i32
      %add3A_925 = arith.constant 1 : i32
      %add3A_926 = arith.addi %mul3A_924, %add3A_925 : i32
      %swap3A_927 = arith.index_cast %add3A_926 : i32 to index
      %swap3A_928 = arith.constant 0 : index
      %swap3A_929 = tpu.vector_load %arg9[%swap3A_927, %swap3A_928] {strides = array<i32>} : memref<512x16xf32, #tpu.memory_space<vmem>>, vector<1x16xf32>,
      %swap3A_930 = vector.shape_cast %swap3A_929 : vector<1x16xf32> to vector<16xf32>
      %swap3A_931 = vector.shape_cast %add3A_922 : vector<16xf32> to vector<1x16xf32>
      tpu.vector_store %arg9[%swap3A_927, %swap3A_928], %swap3A_931 {strides = array<i32>} : memref<512x16xf32, #tpu.memory_space<vmem>>, vector<1x16xf32>,
      %scan3A_932 = arith.constant 0 : i32
      scf.yield %scan3A_932 : i32
    }
    %scan3A_648 = arith.constant 256 : i32
    %mul3A_649 = arith.constant 512 : i32
    %mul3A_650 = arith.muli %add3A, %mul3A_649 : i32
    "tpu.region"() ({
      %run_scoped3A = tpu.sem_alloc : memref<!tpu.dma_semaphore, #tpu.memory_space<semaphore_mem>>
      %dma_start3A_651 = arith.constant 0 : i32
      %dma_start3A_652 = tpu.memref_slice %arg5[%mul3A_650, %dma_start3A_651] : memref<16384x16xf32, #tpu.memory_space<hbm>> -> memref<512x16xf32, #tpu.memory_space<hbm>>
      %dma_start3A_653 = arith.constant 0 : i32
      %dma_start3A_654 = tpu.memref_slice %arg5[%mul3A_650, %dma_start3A_653] : memref<16384x16xf32, #tpu.memory_space<hbm>> -> memref<512x16xf32, #tpu.memory_space<hbm>>
      tpu.enqueue_dma source(%arg9 : memref<512x16xf32, #tpu.memory_space<vmem>>) target(%dma_start3A_654 : memref<512x16xf32, #tpu.memory_space<hbm>>) target_semaphore(%run_scoped3A : memref<!tpu.dma_semaphore, #tpu.memory_space<semaphore_mem>>)
      %dma_wait3A_655 = arith.constant 0 : i32
      %dma_wait3A_656 = tpu.memref_slice %arg5[%mul3A_650, %dma_wait3A_655] : memref<16384x16xf32, #tpu.memory_space<hbm>> -> memref<512x16xf32, #tpu.memory_space<hbm>>
      %dma_wait3A_657 = arith.constant 0 : i32
      %dma_wait3A_658 = tpu.memref_slice %arg5[%mul3A_650, %dma_wait3A_657] : memref<16384x16xf32, #tpu.memory_space<hbm>> -> memref<512x16xf32, #tpu.memory_space<hbm>>
      tpu.wait_dma2 semaphore(%run_scoped3A : memref<!tpu.dma_semaphore, #tpu.memory_space<semaphore_mem>>) src(%arg9 : memref<512x16xf32, #tpu.memory_space<vmem>>) dst(%dma_wait3A_658 : memref<512x16xf32, #tpu.memory_space<hbm>>)
      tpu.yield
    }) : () -> ()
    return
  }
}

module attributes {stable_mosaic.version = 14 : i64} {
  func.func @_gating_kernel(%arg0: i32, %arg1: memref<2048x8x128xf32, #tpu.memory_space<vmem>>, %arg2: memref<1024x256xf32, #tpu.memory_space<vmem>>, %arg3: memref<256xf32, #tpu.memory_space<vmem>>, %arg4: memref<256x128xf32, #tpu.memory_space<vmem>>, %arg5: memref<128xf32, #tpu.memory_space<vmem>>, %arg6: memref<128x64xf32, #tpu.memory_space<vmem>>, %arg7: memref<64xf32, #tpu.memory_space<vmem>>, %arg8: memref<2048x8xi32, #tpu.memory_space<vmem>>, %arg9: memref<2048x8xf32, #tpu.memory_space<vmem>>) attributes {dimension_semantics = [#tpu.dimension_semantics<arbitrary>], iteration_bounds = array<i64: 8>, scalar_prefetch = 0 : i64, scratch_operands = 0 : i64, tpu.core_type = #tpu.core_type<tc>, window_params = [{transform_indices = @transform_0, window_bounds = array<i64: 2048, 8, 128>}, {pipeline_mode = #tpu.pipeline_mode<synchronous>, transform_indices = @transform_1, window_bounds = array<i64: 1024, 256>}, {pipeline_mode = #tpu.pipeline_mode<synchronous>, transform_indices = @transform_2, window_bounds = array<i64: 256>}, {pipeline_mode = #tpu.pipeline_mode<synchronous>, transform_indices = @transform_3, window_bounds = array<i64: 256, 128>}, {pipeline_mode = #tpu.pipeline_mode<synchronous>, transform_indices = @transform_4, window_bounds = array<i64: 128>}, {pipeline_mode = #tpu.pipeline_mode<synchronous>, transform_indices = @transform_5, window_bounds = array<i64: 128, 64>}, {pipeline_mode = #tpu.pipeline_mode<synchronous>, transform_indices = @transform_6, window_bounds = array<i64: 64>}, {transform_indices = @transform_7, window_bounds = array<i64: 2048, 8>}, {transform_indices = @transform_8, window_bounds = array<i64: 2048, 8>}]} {
    %get3A = arith.constant 0 : index
    %get3A_0 = arith.constant 0 : index
    %get3A_1 = arith.constant 0 : index
    %get3A_2 = vector.load %arg1[%get3A, %get3A_0, %get3A_1] : memref<2048x8x128xf32, #tpu.memory_space<vmem>>, vector<2048x8x128xf32>
    %reshape3A = vector.shape_cast %get3A_2 : vector<2048x8x128xf32> to vector<2048x1024xf32>
    %convert_element_type3A = arith.truncf %reshape3A : vector<2048x1024xf32> to vector<2048x1024xbf16>
    %get3A_3 = arith.constant 0 : index
    %get3A_4 = arith.constant 0 : index
    %get3A_5 = vector.load %arg2[%get3A_3, %get3A_4] : memref<1024x256xf32, #tpu.memory_space<vmem>>, vector<1024x256xf32>
    %convert_element_type3A_6 = arith.truncf %get3A_5 : vector<1024x256xf32> to vector<1024x256xbf16>
    %dot_general3A = arith.constant dense<0.000000e+00> : vector<2048x256xf32>
    %dot_general3A_7 = tpu.matmul %convert_element_type3A, %convert_element_type3A_6, %dot_general3A {dimension_numbers = #tpu.dot_dimension_numbers<[1], [0], [0], [1], [0, 0, 1, 1], [], []>, transpose_lhs_hint = false} : vector<2048x1024xbf16>, vector<1024x256xbf16>, vector<2048x256xf32> -> vector<2048x256xf32>
    %get3A_8 = arith.constant 0 : index
    %get3A_9 = vector.load %arg3[%get3A_8] : memref<256xf32, #tpu.memory_space<vmem>>, vector<256xf32>
    %broadcast_in_dim3A = vector.shape_cast %get3A_9 : vector<256xf32> to vector<1x256xf32>
    %add3A = vector.broadcast %broadcast_in_dim3A : vector<1x256xf32> to vector<2048x256xf32>
    %add3A_10 = arith.addf %dot_general3A_7, %add3A : vector<2048x256xf32>
    %max3A = arith.constant 0.000000e+00 : f32
    %max3A_11 = vector.broadcast %max3A : f32 to vector<2048x256xf32>
    %max3A_12 = arith.maximumf %add3A_10, %max3A_11 : vector<2048x256xf32>
    %convert_element_type3A_13 = arith.truncf %max3A_12 : vector<2048x256xf32> to vector<2048x256xbf16>
    %get3A_14 = arith.constant 0 : index
    %get3A_15 = arith.constant 0 : index
    %get3A_16 = vector.load %arg4[%get3A_14, %get3A_15] : memref<256x128xf32, #tpu.memory_space<vmem>>, vector<256x128xf32>
    %convert_element_type3A_17 = arith.truncf %get3A_16 : vector<256x128xf32> to vector<256x128xbf16>
    %dot_general3A_18 = arith.constant dense<0.000000e+00> : vector<2048x128xf32>
    %dot_general3A_19 = tpu.matmul %convert_element_type3A_13, %convert_element_type3A_17, %dot_general3A_18 {dimension_numbers = #tpu.dot_dimension_numbers<[1], [0], [0], [1], [0, 0, 1, 1], [], []>, transpose_lhs_hint = false} : vector<2048x256xbf16>, vector<256x128xbf16>, vector<2048x128xf32> -> vector<2048x128xf32>
    %get3A_20 = arith.constant 0 : index
    %get3A_21 = vector.load %arg5[%get3A_20] : memref<128xf32, #tpu.memory_space<vmem>>, vector<128xf32>
    %broadcast_in_dim3A_22 = vector.shape_cast %get3A_21 : vector<128xf32> to vector<1x128xf32>
    %add3A_23 = vector.broadcast %broadcast_in_dim3A_22 : vector<1x128xf32> to vector<2048x128xf32>
    %add3A_24 = arith.addf %dot_general3A_19, %add3A_23 : vector<2048x128xf32>
    %max3A_25 = arith.constant 0.000000e+00 : f32
    %max3A_26 = vector.broadcast %max3A_25 : f32 to vector<2048x128xf32>
    %max3A_27 = arith.maximumf %add3A_24, %max3A_26 : vector<2048x128xf32>
    %convert_element_type3A_28 = arith.truncf %max3A_27 : vector<2048x128xf32> to vector<2048x128xbf16>
    %get3A_29 = arith.constant 0 : index
    %get3A_30 = arith.constant 0 : index
    %get3A_31 = vector.load %arg6[%get3A_29, %get3A_30] : memref<128x64xf32, #tpu.memory_space<vmem>>, vector<128x64xf32>
    %convert_element_type3A_32 = arith.truncf %get3A_31 : vector<128x64xf32> to vector<128x64xbf16>
    %dot_general3A_33 = arith.constant dense<0.000000e+00> : vector<2048x64xf32>
    %dot_general3A_34 = tpu.matmul %convert_element_type3A_28, %convert_element_type3A_32, %dot_general3A_33 {dimension_numbers = #tpu.dot_dimension_numbers<[1], [0], [0], [1], [0, 0, 1, 1], [], []>, transpose_lhs_hint = false} : vector<2048x128xbf16>, vector<128x64xbf16>, vector<2048x64xf32> -> vector<2048x64xf32>
    %get3A_35 = arith.constant 0 : index
    %get3A_36 = vector.load %arg7[%get3A_35] : memref<64xf32, #tpu.memory_space<vmem>>, vector<64xf32>
    %broadcast_in_dim3A_37 = vector.shape_cast %get3A_36 : vector<64xf32> to vector<1x64xf32>
    %add3A_38 = vector.broadcast %broadcast_in_dim3A_37 : vector<1x64xf32> to vector<2048x64xf32>
    %add3A_39 = arith.addf %dot_general3A_34, %add3A_38 : vector<2048x64xf32>
    %iota3A = tpu.iota {dimensions = array<i32: 1>} : vector<2048x64xi32>
    %reduce_max3A = arith.constant dense<0xFF800000> : vector<2048xf32>
    %reduce_max3A_40 = vector.multi_reduction <maximumf>, %add3A_39, %reduce_max3A [1] : vector<2048x64xf32> to vector<2048xf32>
    %broadcast_in_dim3A_41 = vector.shape_cast %reduce_max3A_40 : vector<2048xf32> to vector<2048x1xf32>
    %eq3A = vector.broadcast %broadcast_in_dim3A_41 : vector<2048x1xf32> to vector<2048x64xf32>
    %eq3A_42 = arith.cmpf oeq, %add3A_39, %eq3A : vector<2048x64xf32>
    %jit3A = arith.constant -1 : i32
    %broadcast_in_dim3A_43 = vector.broadcast %jit3A : i32 to vector<2048x64xi32>
    %select_n3A = arith.select %eq3A_42, %iota3A, %broadcast_in_dim3A_43 : vector<2048x64xi1>, vector<2048x64xi32>
    %reduce_max3A_44 = arith.constant dense<-2147483648> : vector<2048xi32>
    %reduce_max3A_45 = vector.multi_reduction <maxsi>, %select_n3A, %reduce_max3A_44 [1] : vector<2048x64xi32> to vector<2048xi32>
    %broadcast_in_dim3A_46 = vector.shape_cast %reduce_max3A_45 : vector<2048xi32> to vector<2048x1xi32>
    %sub3A = arith.subf %broadcast_in_dim3A_41, %broadcast_in_dim3A_41 : vector<2048x1xf32>
    %exp3A = math.exp %sub3A : vector<2048x1xf32>
    %jit3A_47 = arith.constant 0xFF800000 : f32
    %broadcast_in_dim3A_48 = vector.broadcast %jit3A_47 : f32 to vector<2048x64xf32>
    %select_n3A_49 = arith.select %eq3A_42, %broadcast_in_dim3A_48, %add3A_39 : vector<2048x64xi1>, vector<2048x64xf32>
    %reduce_max3A_50 = arith.constant dense<0xFF800000> : vector<2048xf32>
    %reduce_max3A_51 = vector.multi_reduction <maximumf>, %select_n3A_49, %reduce_max3A_50 [1] : vector<2048x64xf32> to vector<2048xf32>
    %broadcast_in_dim3A_52 = vector.shape_cast %reduce_max3A_51 : vector<2048xf32> to vector<2048x1xf32>
    %eq3A_53 = vector.broadcast %broadcast_in_dim3A_52 : vector<2048x1xf32> to vector<2048x64xf32>
    %eq3A_54 = arith.cmpf oeq, %select_n3A_49, %eq3A_53 : vector<2048x64xf32>
    %jit3A_55 = arith.constant -1 : i32
    %broadcast_in_dim3A_56 = vector.broadcast %jit3A_55 : i32 to vector<2048x64xi32>
    %select_n3A_57 = arith.select %eq3A_54, %iota3A, %broadcast_in_dim3A_56 : vector<2048x64xi1>, vector<2048x64xi32>
    %reduce_max3A_58 = arith.constant dense<-2147483648> : vector<2048xi32>
    %reduce_max3A_59 = vector.multi_reduction <maxsi>, %select_n3A_57, %reduce_max3A_58 [1] : vector<2048x64xi32> to vector<2048xi32>
    %broadcast_in_dim3A_60 = vector.shape_cast %reduce_max3A_59 : vector<2048xi32> to vector<2048x1xi32>
    %sub3A_61 = arith.subf %broadcast_in_dim3A_52, %broadcast_in_dim3A_41 : vector<2048x1xf32>
    %exp3A_62 = math.exp %sub3A_61 : vector<2048x1xf32>
    %jit3A_63 = arith.constant 0xFF800000 : f32
    %broadcast_in_dim3A_64 = vector.broadcast %jit3A_63 : f32 to vector<2048x64xf32>
    %select_n3A_65 = arith.select %eq3A_54, %broadcast_in_dim3A_64, %select_n3A_49 : vector<2048x64xi1>, vector<2048x64xf32>
    %reduce_max3A_66 = arith.constant dense<0xFF800000> : vector<2048xf32>
    %reduce_max3A_67 = vector.multi_reduction <maximumf>, %select_n3A_65, %reduce_max3A_66 [1] : vector<2048x64xf32> to vector<2048xf32>
    %broadcast_in_dim3A_68 = vector.shape_cast %reduce_max3A_67 : vector<2048xf32> to vector<2048x1xf32>
    %eq3A_69 = vector.broadcast %broadcast_in_dim3A_68 : vector<2048x1xf32> to vector<2048x64xf32>
    %eq3A_70 = arith.cmpf oeq, %select_n3A_65, %eq3A_69 : vector<2048x64xf32>
    %jit3A_71 = arith.constant -1 : i32
    %broadcast_in_dim3A_72 = vector.broadcast %jit3A_71 : i32 to vector<2048x64xi32>
    %select_n3A_73 = arith.select %eq3A_70, %iota3A, %broadcast_in_dim3A_72 : vector<2048x64xi1>, vector<2048x64xi32>
    %reduce_max3A_74 = arith.constant dense<-2147483648> : vector<2048xi32>
    %reduce_max3A_75 = vector.multi_reduction <maxsi>, %select_n3A_73, %reduce_max3A_74 [1] : vector<2048x64xi32> to vector<2048xi32>
    %broadcast_in_dim3A_76 = vector.shape_cast %reduce_max3A_75 : vector<2048xi32> to vector<2048x1xi32>
    %sub3A_77 = arith.subf %broadcast_in_dim3A_68, %broadcast_in_dim3A_41 : vector<2048x1xf32>
    %exp3A_78 = math.exp %sub3A_77 : vector<2048x1xf32>
    %jit3A_79 = arith.constant 0xFF800000 : f32
    %broadcast_in_dim3A_80 = vector.broadcast %jit3A_79 : f32 to vector<2048x64xf32>
    %select_n3A_81 = arith.select %eq3A_70, %broadcast_in_dim3A_80, %select_n3A_65 : vector<2048x64xi1>, vector<2048x64xf32>
    %reduce_max3A_82 = arith.constant dense<0xFF800000> : vector<2048xf32>
    %reduce_max3A_83 = vector.multi_reduction <maximumf>, %select_n3A_81, %reduce_max3A_82 [1] : vector<2048x64xf32> to vector<2048xf32>
    %broadcast_in_dim3A_84 = vector.shape_cast %reduce_max3A_83 : vector<2048xf32> to vector<2048x1xf32>
    %eq3A_85 = vector.broadcast %broadcast_in_dim3A_84 : vector<2048x1xf32> to vector<2048x64xf32>
    %eq3A_86 = arith.cmpf oeq, %select_n3A_81, %eq3A_85 : vector<2048x64xf32>
    %jit3A_87 = arith.constant -1 : i32
    %broadcast_in_dim3A_88 = vector.broadcast %jit3A_87 : i32 to vector<2048x64xi32>
    %select_n3A_89 = arith.select %eq3A_86, %iota3A, %broadcast_in_dim3A_88 : vector<2048x64xi1>, vector<2048x64xi32>
    %reduce_max3A_90 = arith.constant dense<-2147483648> : vector<2048xi32>
    %reduce_max3A_91 = vector.multi_reduction <maxsi>, %select_n3A_89, %reduce_max3A_90 [1] : vector<2048x64xi32> to vector<2048xi32>
    %broadcast_in_dim3A_92 = vector.shape_cast %reduce_max3A_91 : vector<2048xi32> to vector<2048x1xi32>
    %sub3A_93 = arith.subf %broadcast_in_dim3A_84, %broadcast_in_dim3A_41 : vector<2048x1xf32>
    %exp3A_94 = math.exp %sub3A_93 : vector<2048x1xf32>
    %jit3A_95 = arith.constant 0xFF800000 : f32
    %broadcast_in_dim3A_96 = vector.broadcast %jit3A_95 : f32 to vector<2048x64xf32>
    %select_n3A_97 = arith.select %eq3A_86, %broadcast_in_dim3A_96, %select_n3A_81 : vector<2048x64xi1>, vector<2048x64xf32>
    %reduce_max3A_98 = arith.constant dense<0xFF800000> : vector<2048xf32>
    %reduce_max3A_99 = vector.multi_reduction <maximumf>, %select_n3A_97, %reduce_max3A_98 [1] : vector<2048x64xf32> to vector<2048xf32>
    %broadcast_in_dim3A_100 = vector.shape_cast %reduce_max3A_99 : vector<2048xf32> to vector<2048x1xf32>
    %eq3A_101 = vector.broadcast %broadcast_in_dim3A_100 : vector<2048x1xf32> to vector<2048x64xf32>
    %eq3A_102 = arith.cmpf oeq, %select_n3A_97, %eq3A_101 : vector<2048x64xf32>
    %jit3A_103 = arith.constant -1 : i32
    %broadcast_in_dim3A_104 = vector.broadcast %jit3A_103 : i32 to vector<2048x64xi32>
    %select_n3A_105 = arith.select %eq3A_102, %iota3A, %broadcast_in_dim3A_104 : vector<2048x64xi1>, vector<2048x64xi32>
    %reduce_max3A_106 = arith.constant dense<-2147483648> : vector<2048xi32>
    %reduce_max3A_107 = vector.multi_reduction <maxsi>, %select_n3A_105, %reduce_max3A_106 [1] : vector<2048x64xi32> to vector<2048xi32>
    %broadcast_in_dim3A_108 = vector.shape_cast %reduce_max3A_107 : vector<2048xi32> to vector<2048x1xi32>
    %sub3A_109 = arith.subf %broadcast_in_dim3A_100, %broadcast_in_dim3A_41 : vector<2048x1xf32>
    %exp3A_110 = math.exp %sub3A_109 : vector<2048x1xf32>
    %jit3A_111 = arith.constant 0xFF800000 : f32
    %broadcast_in_dim3A_112 = vector.broadcast %jit3A_111 : f32 to vector<2048x64xf32>
    %select_n3A_113 = arith.select %eq3A_102, %broadcast_in_dim3A_112, %select_n3A_97 : vector<2048x64xi1>, vector<2048x64xf32>
    %reduce_max3A_114 = arith.constant dense<0xFF800000> : vector<2048xf32>
    %reduce_max3A_115 = vector.multi_reduction <maximumf>, %select_n3A_113, %reduce_max3A_114 [1] : vector<2048x64xf32> to vector<2048xf32>
    %broadcast_in_dim3A_116 = vector.shape_cast %reduce_max3A_115 : vector<2048xf32> to vector<2048x1xf32>
    %eq3A_117 = vector.broadcast %broadcast_in_dim3A_116 : vector<2048x1xf32> to vector<2048x64xf32>
    %eq3A_118 = arith.cmpf oeq, %select_n3A_113, %eq3A_117 : vector<2048x64xf32>
    %jit3A_119 = arith.constant -1 : i32
    %broadcast_in_dim3A_120 = vector.broadcast %jit3A_119 : i32 to vector<2048x64xi32>
    %select_n3A_121 = arith.select %eq3A_118, %iota3A, %broadcast_in_dim3A_120 : vector<2048x64xi1>, vector<2048x64xi32>
    %reduce_max3A_122 = arith.constant dense<-2147483648> : vector<2048xi32>
    %reduce_max3A_123 = vector.multi_reduction <maxsi>, %select_n3A_121, %reduce_max3A_122 [1] : vector<2048x64xi32> to vector<2048xi32>
    %broadcast_in_dim3A_124 = vector.shape_cast %reduce_max3A_123 : vector<2048xi32> to vector<2048x1xi32>
    %sub3A_125 = arith.subf %broadcast_in_dim3A_116, %broadcast_in_dim3A_41 : vector<2048x1xf32>
    %exp3A_126 = math.exp %sub3A_125 : vector<2048x1xf32>
    %jit3A_127 = arith.constant 0xFF800000 : f32
    %broadcast_in_dim3A_128 = vector.broadcast %jit3A_127 : f32 to vector<2048x64xf32>
    %select_n3A_129 = arith.select %eq3A_118, %broadcast_in_dim3A_128, %select_n3A_113 : vector<2048x64xi1>, vector<2048x64xf32>
    %reduce_max3A_130 = arith.constant dense<0xFF800000> : vector<2048xf32>
    %reduce_max3A_131 = vector.multi_reduction <maximumf>, %select_n3A_129, %reduce_max3A_130 [1] : vector<2048x64xf32> to vector<2048xf32>
    %broadcast_in_dim3A_132 = vector.shape_cast %reduce_max3A_131 : vector<2048xf32> to vector<2048x1xf32>
    %eq3A_133 = vector.broadcast %broadcast_in_dim3A_132 : vector<2048x1xf32> to vector<2048x64xf32>
    %eq3A_134 = arith.cmpf oeq, %select_n3A_129, %eq3A_133 : vector<2048x64xf32>
    %jit3A_135 = arith.constant -1 : i32
    %broadcast_in_dim3A_136 = vector.broadcast %jit3A_135 : i32 to vector<2048x64xi32>
    %select_n3A_137 = arith.select %eq3A_134, %iota3A, %broadcast_in_dim3A_136 : vector<2048x64xi1>, vector<2048x64xi32>
    %reduce_max3A_138 = arith.constant dense<-2147483648> : vector<2048xi32>
    %reduce_max3A_139 = vector.multi_reduction <maxsi>, %select_n3A_137, %reduce_max3A_138 [1] : vector<2048x64xi32> to vector<2048xi32>
    %broadcast_in_dim3A_140 = vector.shape_cast %reduce_max3A_139 : vector<2048xi32> to vector<2048x1xi32>
    %sub3A_141 = arith.subf %broadcast_in_dim3A_132, %broadcast_in_dim3A_41 : vector<2048x1xf32>
    %exp3A_142 = math.exp %sub3A_141 : vector<2048x1xf32>
    %jit3A_143 = arith.constant 0xFF800000 : f32
    %broadcast_in_dim3A_144 = vector.broadcast %jit3A_143 : f32 to vector<2048x64xf32>
    %select_n3A_145 = arith.select %eq3A_134, %broadcast_in_dim3A_144, %select_n3A_129 : vector<2048x64xi1>, vector<2048x64xf32>
    %reduce_max3A_146 = arith.constant dense<0xFF800000> : vector<2048xf32>
    %reduce_max3A_147 = vector.multi_reduction <maximumf>, %select_n3A_145, %reduce_max3A_146 [1] : vector<2048x64xf32> to vector<2048xf32>
    %broadcast_in_dim3A_148 = vector.shape_cast %reduce_max3A_147 : vector<2048xf32> to vector<2048x1xf32>
    %eq3A_149 = vector.broadcast %broadcast_in_dim3A_148 : vector<2048x1xf32> to vector<2048x64xf32>
    %eq3A_150 = arith.cmpf oeq, %select_n3A_145, %eq3A_149 : vector<2048x64xf32>
    %jit3A_151 = arith.constant -1 : i32
    %broadcast_in_dim3A_152 = vector.broadcast %jit3A_151 : i32 to vector<2048x64xi32>
    %select_n3A_153 = arith.select %eq3A_150, %iota3A, %broadcast_in_dim3A_152 : vector<2048x64xi1>, vector<2048x64xi32>
    %reduce_max3A_154 = arith.constant dense<-2147483648> : vector<2048xi32>
    %reduce_max3A_155 = vector.multi_reduction <maxsi>, %select_n3A_153, %reduce_max3A_154 [1] : vector<2048x64xi32> to vector<2048xi32>
    %broadcast_in_dim3A_156 = vector.shape_cast %reduce_max3A_155 : vector<2048xi32> to vector<2048x1xi32>
    %sub3A_157 = arith.subf %broadcast_in_dim3A_148, %broadcast_in_dim3A_41 : vector<2048x1xf32>
    %exp3A_158 = math.exp %sub3A_157 : vector<2048x1xf32>
    %concatenate3A = tpu.concatenate %broadcast_in_dim3A_46, %broadcast_in_dim3A_60, %broadcast_in_dim3A_76, %broadcast_in_dim3A_92, %broadcast_in_dim3A_108, %broadcast_in_dim3A_124, %broadcast_in_dim3A_140, %broadcast_in_dim3A_156 in 1 : vector<2048x1xi32>, vector<2048x1xi32>, vector<2048x1xi32>, vector<2048x1xi32>, vector<2048x1xi32>, vector<2048x1xi32>, vector<2048x1xi32>, vector<2048x1xi32> -> vector<2048x8xi32>
    %concatenate3A_159 = tpu.concatenate %exp3A, %exp3A_62, %exp3A_78, %exp3A_94, %exp3A_110, %exp3A_126, %exp3A_142, %exp3A_158 in 1 : vector<2048x1xf32>, vector<2048x1xf32>, vector<2048x1xf32>, vector<2048x1xf32>, vector<2048x1xf32>, vector<2048x1xf32>, vector<2048x1xf32>, vector<2048x1xf32> -> vector<2048x8xf32>
    %reduce_sum3A = arith.constant dense<0.000000e+00> : vector<2048xf32>
    %reduce_sum3A_160 = vector.multi_reduction <add>, %concatenate3A_159, %reduce_sum3A [1] : vector<2048x8xf32> to vector<2048xf32>
    %broadcast_in_dim3A_161 = vector.shape_cast %reduce_sum3A_160 : vector<2048xf32> to vector<2048x1xf32>
    %div3A = vector.broadcast %broadcast_in_dim3A_161 : vector<2048x1xf32> to vector<2048x8xf32>
    %div3A_162 = arith.divf %concatenate3A_159, %div3A : vector<2048x8xf32>
    %mul3A = arith.constant 2048 : i32
    %mul3A_163 = arith.muli %arg0, %mul3A : i32
    %iota3A_164 = tpu.iota {dimensions = array<i32: 0>} : vector<2048x8xi32>
    %add3A_165 = vector.broadcast %mul3A_163 : i32 to vector<2048x8xi32>
    %add3A_166 = arith.addi %add3A_165, %iota3A_164 : vector<2048x8xi32>
    %mul3A_167 = arith.constant 64 : i32
    %mul3A_168 = vector.broadcast %mul3A_167 : i32 to vector<2048x8xi32>
    %mul3A_169 = arith.muli %add3A_166, %mul3A_168 : vector<2048x8xi32>
    %add3A_170 = arith.addi %mul3A_169, %concatenate3A : vector<2048x8xi32>
    %swap3A = arith.constant 0 : index
    %swap3A_171 = arith.constant 0 : index
    %swap3A_172 = vector.load %arg8[%swap3A, %swap3A_171] : memref<2048x8xi32, #tpu.memory_space<vmem>>, vector<2048x8xi32>
    tpu.vector_store %arg8[%swap3A, %swap3A_171], %add3A_170 {strides = array<i32>} : memref<2048x8xi32, #tpu.memory_space<vmem>>, vector<2048x8xi32>,
    %swap3A_173 = arith.constant 0 : index
    %swap3A_174 = arith.constant 0 : index
    %swap3A_175 = vector.load %arg9[%swap3A_173, %swap3A_174] : memref<2048x8xf32, #tpu.memory_space<vmem>>, vector<2048x8xf32>
    tpu.vector_store %arg9[%swap3A_173, %swap3A_174], %div3A_162 {strides = array<i32>} : memref<2048x8xf32, #tpu.memory_space<vmem>>, vector<2048x8xf32>,
    return
  }
  func.func @transform_0(%arg0: i32) -> (i32, i32, i32) {
    %c0_i32 = arith.constant 0 : i32
    %c0_i32_0 = arith.constant 0 : i32
    %c0_i32_1 = arith.constant 0 : i32
    return %arg0, %c0_i32, %c0_i32_0 : i32, i32, i32
  }
  func.func @transform_1(%arg0: i32) -> (i32, i32) {
    %c0_i32 = arith.constant 0 : i32
    %c0_i32_0 = arith.constant 0 : i32
    %c0_i32_1 = arith.constant 0 : i32
    return %c0_i32, %c0_i32_0 : i32, i32
  }
  func.func @transform_2(%arg0: i32) -> i32 {
    %c0_i32 = arith.constant 0 : i32
    %c0_i32_0 = arith.constant 0 : i32
    return %c0_i32 : i32
  }
  func.func @transform_3(%arg0: i32) -> (i32, i32) {
    %c0_i32 = arith.constant 0 : i32
    %c0_i32_0 = arith.constant 0 : i32
    %c0_i32_1 = arith.constant 0 : i32
    return %c0_i32, %c0_i32_0 : i32, i32
  }
  func.func @transform_4(%arg0: i32) -> i32 {
    %c0_i32 = arith.constant 0 : i32
    %c0_i32_0 = arith.constant 0 : i32
    return %c0_i32 : i32
  }
  func.func @transform_5(%arg0: i32) -> (i32, i32) {
    %c0_i32 = arith.constant 0 : i32
    %c0_i32_0 = arith.constant 0 : i32
    %c0_i32_1 = arith.constant 0 : i32
    return %c0_i32, %c0_i32_0 : i32, i32
  }
  func.func @transform_6(%arg0: i32) -> i32 {
    %c0_i32 = arith.constant 0 : i32
    %c0_i32_0 = arith.constant 0 : i32
    return %c0_i32 : i32
  }
  func.func @transform_7(%arg0: i32) -> (i32, i32) {
    %c0_i32 = arith.constant 0 : i32
    %c0_i32_0 = arith.constant 0 : i32
    return %arg0, %c0_i32 : i32, i32
  }
  func.func @transform_8(%arg0: i32) -> (i32, i32) {
    %c0_i32 = arith.constant 0 : i32
    %c0_i32_0 = arith.constant 0 : i32
    return %arg0, %c0_i32 : i32, i32
  }
}

</mosaic_0001>

<sc_bundles>
// kernel: kernel.4.cloned.1.call-start
scs
__scs_entry_jumppad:
0x0: {  	(pc) =	sbr.rel $0x88, $3  }
0x1: {  	(tag) =	ssettag $0x0;
	lr =	simm.s32 $0x1  }
0x2: {  	[smem:$0x3F9A] =	sst lr;
	_ =	strace $0xD0000000  }
0x3: {  	_ = 	snop  }
0x4: {  	_ = 	snop  }
0x5: {  	_ = 	snop  }
0x6: {  	_ = 	snop  }
0x7: {  	_ = 	snop  }
__scs_overlays_trampoline_lowered:
0x8: {  	[smem:$0x3FA9] =	sst s0  }
0x9: {  	[smem:$0x3FAA] =	sst s1  }
0xa: {  	[smem:$0x3FAB] =	sst s2  }
0xb: {  	[smem:$0x3FAC] =	sst s3  }
0xc: {  	[smem:$0x3FAD] =	sst s4  }
0xd: {  	[smem:$0x3FAE] =	sst s5  }
0xe: {  	[smem:$0x3FAF] =	sst s6  }
0xf: {  	[smem:$0x3FB0] =	sst s7  }
0x10: {  	[smem:$0x3FB1] =	sst s8  }
0x11: {  	[smem:$0x3FB2] =	sst s9;
	s0 =	simm.s32 @!p0 $0x0  }
0x12: {  	s1 =	sld [smem:$0x3F98];
	s0 =	simm.s32 @p0 $0x1  }
0x13: {  	[smem:$0x3FB3] =	sst s0;
	s0 =	simm.s32 @!p1 $0x0  }
0x14: {  	s2 =	sld [smem:$0x3F97];
	s0 =	simm.s32 @p1 $0x1  }
0x15: {  	[smem:$0x3FB4] =	sst s0;
	s0 =	simm.s32 @!p2 $0x0  }
0x16: {  	s3 =	sld [smem:$0x3FDB];
	s0 =	simm.s32 @p2 $0x1  }
0x17: {  	s4 =	simm.s32 $0x1BF5;
	[smem:$0x3FB6] =	sst s0  }
0x18: {  	s0 =	sld [smem:$0x3F99];
	_ =	swait.ge [sflag:s4], $0x0  }
0x19: {  	s7 =	sld [smem:$0x3F9A]  }
0x1a: {  	s8 =	sadd.s32 $0xFFFFE003, lr  }
0x1b: {  	s9 =	sadd.s32 $0xFFFFFEF7, lr;
	s5 =	simm.s32 $0xFFFFFFFF;
	p2 =	slt.u32 s8, $0xFFFFF086  }
0x1c: {  	p1 =	slt.u32 s9, $0xF7A;
	s5 =	simm.s32 @!p2 $0x0  }
0x1d: {  	s5 =	simm.s32 @p1 $0x1;
	p0 =	seq.s32 s7, s2  }
0x1e: {  	s7 =	smul.u32 @!p0 $0xF7A, s2;
	p2 =	seq.s32 @!p0 s5, $0x0  }
0x1f: {  	s9 =	smul.u32 $0xF7A, s1;
	s8 =	simm.s32 @!p0 $0x1BF5;
	p2 =	por !p2, p0  }
0x20: {  	[sflag:s8] =	ssyncset.s32 @!p0 $0xFFFFF086;
	s6 =	sadd.s32 @!p0 s3, s7;
	s7 =	simm.s32 @!p0 $0x108  }
0x21: {  	s3 =	sadd.s32 s3, s9;
	s6 =	sadd.s32 @!p0 $0x88, s6;
	s7 =	simm.s32 @p2 $0x1082  }
0x22: {  	[simem:s7], [sflag:s8] =	dma.local @!p0 [hbm:s6], $0xF7A  }
0x23: {  	s9 =	sor.u32 $0xD0000000, s2;
	s6 =	simm.s32 $0x108;
	_ =	swait.ge @!p0 [sflag:s8], $0x0  }
0x24: {  	s3 =	sadd.s32 $0x88, s3;
	s6 =	simm.s32 @!p1 $0x1082;
	[sflag:s4] =	ssyncset.s32 $0xFFFFF086  }
0x25: {  	[simem:s6], [sflag:s4] =	dma.local [hbm:s3], $0xF7A  }
0x26: {  	[smem:$0x3F9A] =	sst s1;
	(tag) =	ssettag s2;
	_ =	strace s9  }
0x27: {  	s1 =	sld [smem:$0x3FAA]  }
0x28: {  	s2 =	sld [smem:$0x3FAB]  }
0x29: {  	s4 =	sld [smem:$0x3FAD]  }
0x2a: {  	p0 =	seq.s32 s5, $0x0;
	s5 =	sld [smem:$0x3FAE]  }
0x2b: {  	s6 =	sld [smem:$0x3FAF]  }
0x2c: {  	s7 =	sld [smem:$0x3FB0]  }
0x2d: {  	s3 =	simm.s32 $0x108;
	s8 =	sld [smem:$0x3FB1]  }
0x2e: {  	s3 =	simm.s32 @!p0 $0x1082;
	s9 =	sld [smem:$0x3FB2]  }
0x2f: {  	lr =	sadd.s32 s0, s3;
	s0 =	sld [smem:$0x3FA9]  }
0x30: {  	s3 =	sld [smem:$0x3FAC]  }
0x31: {  	[smem:$0x3FB5] =	sst s10  }
0x32: {  	s10 =	sld [smem:$0x3FB3];
	_ =	sdelay $0x3  }
0x33: {  	p0 =	seq.s32 s10, $0x1;
	s10 =	sld [smem:$0x3FB5];
	_ =	sdelay $0x3  }
0x34: {  	[smem:$0x3FB5] =	sst s10  }
0x35: {  	s10 =	sld [smem:$0x3FB4];
	_ =	sdelay $0x3  }
0x36: {  	p1 =	seq.s32 s10, $0x1;
	s10 =	sld [smem:$0x3FB5];
	_ =	sdelay $0x3  }
0x37: {  	[smem:$0x3FB5] =	sst s10  }
0x38: {  	s10 =	sld [smem:$0x3FB6]  }
0x39: {  	_ = 	snop;
	(pc) =	sbr.ind lr, $3  }
0x3a: {  	_ = 	snop  }
0x3b: {  	_ = 	snop  }
0x3c: {  	p2 =	seq.s32 s10, $0x1;
	s10 =	sld [smem:$0x3FB5]  }
0x3d: {  	_ =	shalt  }
0x3e: {  	_ =	shalt  }
0x3f: {  	_ =	shalt  }
0x40: {  	_ =	shalt  }
0x41: {  	_ =	shalt  }
0x42: {  	_ =	shalt  }
0x43: {  	_ =	shalt  }
0x44: {  	_ =	shalt  }
0x45: {  	_ =	shalt  }
0x46: {  	_ =	shalt  }
0x47: {  	_ =	shalt  }
0x48: {  	_ =	shalt  }
0x49: {  	_ =	shalt  }
0x4a: {  	_ =	shalt  }
0x4b: {  	_ =	shalt  }
0x4c: {  	_ =	shalt  }
0x4d: {  	_ =	shalt  }
0x4e: {  	_ =	shalt  }
0x4f: {  	_ =	shalt  }
0x50: {  	_ =	shalt  }
0x51: {  	_ =	shalt  }
0x52: {  	_ =	shalt  }
0x53: {  	_ =	shalt  }
0x54: {  	_ =	shalt  }
0x55: {  	_ =	shalt  }
0x56: {  	_ =	shalt  }
0x57: {  	_ =	shalt  }
0x58: {  	_ =	shalt  }
0x59: {  	_ =	shalt  }
0x5a: {  	_ =	shalt  }
0x5b: {  	_ =	shalt  }
0x5c: {  	_ =	shalt  }
0x5d: {  	_ =	shalt  }
0x5e: {  	_ =	shalt  }
0x5f: {  	_ =	shalt  }
0x60: {  	_ =	shalt  }
0x61: {  	_ =	shalt  }
0x62: {  	_ =	shalt  }
0x63: {  	_ =	shalt  }
0x64: {  	_ =	shalt  }
0x65: {  	_ =	shalt  }
0x66: {  	_ =	shalt  }
0x67: {  	_ =	shalt  }
0x68: {  	_ =	shalt  }
0x69: {  	_ =	shalt  }
0x6a: {  	_ =	shalt  }
0x6b: {  	_ =	shalt  }
0x6c: {  	_ =	shalt  }
0x6d: {  	_ =	shalt  }
0x6e: {  	_ =	shalt  }
0x6f: {  	_ =	shalt  }
0x70: {  	_ =	shalt  }
0x71: {  	_ =	shalt  }
0x72: {  	_ =	shalt  }
0x73: {  	_ =	shalt  }
0x74: {  	_ =	shalt  }
0x75: {  	_ =	shalt  }
0x76: {  	_ =	shalt  }
0x77: {  	_ =	shalt  }
0x78: {  	_ =	shalt  }
0x79: {  	_ =	shalt  }
0x7a: {  	_ =	shalt  }
0x7b: {  	_ =	shalt  }
0x7c: {  	_ =	shalt  }
0x7d: {  	_ =	shalt  }
0x7e: {  	_ =	shalt  }
0x7f: {  	_ =	shalt  }
0x80: {  	_ =	shalt  }
0x81: {  	_ =	shalt  }
0x82: {  	_ =	shalt  }
0x83: {  	_ =	shalt  }
0x84: {  	_ =	shalt  }
0x85: {  	_ =	shalt  }
0x86: {  	_ =	shalt  }
0x87: {  	_ =	shalt  }
.Lfunc_end0:
.L_simem_size_0:
called_computation_lowered:
.L_overlay_start_0:
0x88: {  	s2 =	sld [smem:$0x3FD9]  }
0x89: {  	s3 =	sld [smem:$0x3FFE];
	_ =	sdelay $0x1  }
0x8a: {  	s1 =	srdreg.scid  }
0x8b: {  	s0 =	sand.u32 $0x1, s1  }
0x8c: {  	s17 =	sshll.u32 s0, $0xA;
	s2 =	sadd.s32 s3, s2  }
0x8d: {  	s2 =	sadd.s32 s2, s17  }
0x8e: {  	[smem:$0x3FC1] =	sst s2  }
0x8f: {  	_ = 	snop  }
0x90: {  	s2 =	sld [smem:$0x3FD0];
	(tm) =	ssettm $0x1  }
0x91: {  	s18 =	sld [smem:$0x3FFB];
	_ =	sdelay $0x3  }
0x92: {  	_ =	strace s18  }
0x93: {  	s3 =	sld [smem:$0x3FFC];
	_ =	sdelay $0x3  }
0x94: {  	_ =	strace s3  }
0x95: {  	s3 =	sld [smem:$0x3FFD];
	_ =	sdelay $0x3  }
0x96: {  	_ =	strace s3  }
0x97: {  	_ =	strace $0x8FFFFFFF  }
0x98: {  	s19 =	sld [smem:$0x3FDB];
	_ =	sdelay $0x1  }
0x99: {  	s4 =	simm.s32 $_scs_section_size  }
0x9a: {  	s5 =	simm.s32 $_size__tile_overlayer_lowered;
	s6 =	simm.s32 $_tile_overlayer_lowered  }
0x9b: {  	s22 =	simm.s32 $0x1BFF;
	s21 =	sshll.u32 s6, $0x1;
	s3 =	sadd.s32 s4, s19  }
0x9c: {  	s7 =	simm.s32 $0x0;
	s20 =	sshll.u32 s5, $0x1;
	s5 =	sadd.s32 s21, s3  }
0x9d: {  	[timem:s7], [sflag:s22] =	dma.local [hbm:s5], s20  }
0x9e: {  	_ =	swait.ge [sflag:s22], s20  }
0x9f: {  	s4 =	ssub.s32 $0x0, s20;
	[sflag:s22] =	ssyncset.done $0x0  }
0xa0: {  	[sflag:s22] =	ssyncadd.s32 s4;
	_ =	sdelay $0x1  }
0xa1: {  	s23 =	simm.s32 $0x1B8B  }
0xa2: {  	_ =	swait.ge [sflag:s23], $0x1  }
0xa3: {  	[sflag:s23] =	ssyncset.done $0x0  }
0xa4: {  	s25 =	simm.s32 $0x1B8E;
	s24 =	sld [smem:$0x3FFE];
	[sflag:s23] =	ssyncadd.s32 $0xFFFFFFFF  }
0xa5: {  	s26 =	simm.s32 $execute0_lowered;
	[smem:$0x3FD2] =	sst s25  }
0xa6: {  	s5 =	sshll.u32 s26, $0x1;
	_ =	strace $0x80000046;
	[dreg:$0x1] =	wrdreg $0xFFFFFFFF  }
0xa7: {  	s28 =	simm.s32 $_size_execute0_lowered;
	s3 =	sadd.s32 s3, s5;
	[dreg:$0x0] =	wrdreg $0x0  }
0xa8: {  	s5 =	sshll.u32 s28, $0x1;
	[dreg:$0x2] =	wrdreg s3  }
0xa9: {  	[dreg:$0x3] =	wrdreg s5  }
0xaa: {  	[dreg:$0x4] =	wrdreg $0xC0  }
0xab: {  	_ =	task [dreg:s7], $0x5FFFF  }
0xac: {  	[dreg:$0x1] =	wrdreg $0xFFFFFFFF  }
0xad: {  	[dreg:$0x0] =	wrdreg $0x60  }
0xae: {  	[dreg:$0x2] =	wrdreg s24  }
0xaf: {  	[dreg:$0x3] =	wrdreg s2  }
0xb0: {  	[dreg:$0x4] =	wrdreg $0x9  }
0xb1: {  	_ =	task.clear_ibuf [dreg:s7], $0x5FFFF;
	_ =	strace $0x90000046  }
0xb2: {  	s29 =	simm.s32 $0x9;
	_ =	strace $0x80000048  }
0xb3: {  	_ =	swait.ge [sflag:s29], $0x1  }
0xb4: {  	[sflag:s29] =	ssyncadd.s32 $0xFFFFFFFF  }
0xb5: {  	_ =	strace $0x90000048  }
0xb6: {  	_ =	sfence  }
0xb7: {  	s30 =	sld [smem:$0x0];
	_ =	sdelay $0x2  }
0xb8: {  	s31 =	sshll.u32 s1, $0xD;
	s1 =	sshrl.u32 s1, $0x2  }
0xb9: {  	s3 =	sand.u32 $0x4000, s31;
	s1 =	sadd.s32 s1, s30  }
0xba: {  	s0 =	sor.u32 s3, s0;
	s1 =	sshll.u32 s1, $0x11  }
0xbb: {  	s0 =	sor.u32 s1, s0  }
0xbc: {  	s0 =	sadd.s32 $0x8F2B, s0  }
0xbd: {  	[sflag:s0] =	ssyncadd.remote.s32 $0x1  }
0xbe: {  	_ =	sfence.sel $0xFFFF  }
0xbf: {  	[dreg:$0x0] =	wrdreg $0xFFFFFFFF;
	(pc) =	sbr.abs _section_cstart, $3  }
0xc0: {  	[dreg:$0x1] =	wrdreg $0xFFFFFFFF  }
0xc1: {  	_ =	task.clear_ibuf [dreg:s7], $0x2FFFF;
	_ =	strace $0x9FFFFFFF  }
0xc2: {  	(tm) =	ssettm $0x7FFFFFFF  }
0xc3: {  	_ =	shalt  }
tec
execute0_lowered:
.L_overlay_start_1:
0x0: {  	(tag) =	ssettag $0x1  }
0x1: {  	s0 =	rddreg [dreg:$0x0]  }
0x2: {  	s1 =	rddreg [dreg:$0x1];
	s2 =	simm.s32 $0x0;
	s3 =	srdreg.scid  }
0x3: {  	s4 =	stileid.u32;
	s8 =	simm.s32 $0x2;
	s10 =	simm.s32 $0x80  }
0x4: {  	s13 =	simm.s32 $0xC80;
	s14 =	simm.s32 $0xD800;
	s15 =	simm.s32 $0xD00  }
0x5: {  	s16 =	simm.s32 $0xE000;
	s17 =	simm.s32 $0xD80;
	s18 =	simm.s32 $0xE800  }
0x6: {  	s19 =	simm.s32 $0xE00;
	s20 =	simm.s32 $0xF000;
	s21 =	simm.s32 $0xE80  }
0x7: {  	s22 =	simm.s32 $0xF800;
	s23 =	simm.s32 $0xF00;
	s24 =	simm.s32 $0x10000  }
0x8: {  	s25 =	simm.s32 $0xF80;
	s26 =	simm.s32 $0x10800;
	s28 =	simm.s32 $0x1  }
0x9: {  	v0 =	vimm.s32 $0x0;
	s29 =	simm.s32 $0x12000;
	s30 =	simm.s32 $0x0;
	[smem:$0x7FF] =	sst s2  }
0xa: {  	v1 =	vimm.s32 $0x1;
	v2 =	vimm.s32 $0x2;
	v3 =	vimm.s32 $0x3;
	s3 =	sand.u32 $0x1, s3;
	s4 =	sshll.u32 s4, $0x1;
	_ =	strace $0x80000047  }
0xb: {  	v4 =	vimm.s32 $0x4;
	v5 =	vimm.s32 $0x5;
	v6 =	vimm.s32 $0x6;
	s4 =	sor.u32 s3, s4;
	s5 =	ssub.s32 $0x2, s3;
	s3 =	sadd.s32 $0x1001200, s0  }
0xc: {  	v7 =	vimm.s32 $0x7;
	v8 =	vimm.s32 $0x8;
	v9 =	vimm.s32 $0x9;
	s6 =	sshll.u32 s4, $0x9;
	s7 =	sshrl.u32 s5, $0x1;
	s31 =	sshll.u32 s4, $0xA  }
0xd: {  	v10 =	vimm.s32 $0xA;
	v11 =	vimm.s32 $0xB;
	v12 =	vimm.s32 $0xC;
	s0 =	sadd.s32 s6, s0;
	s7 =	ssub.s32 s5, s7;
	s6 =	sadd.s32 s1, s31  }
0xe: {  	v13 =	vimm.s32 $0xD;
	v14 =	vimm.s32 $0xE;
	v15 =	vimm.s32 $0xF;
	s4 =	sadd.s32 $0x1200, s0;
	s5 =	sadd.s32 $0x5200, s0;
	s7 =	smax.u32 s7, $0x1  }
.LBB2_1:
0xf: {  	[tilespmem:s2], [sflag:$0x2] =	stream.linear.gather [hbm4b:s4+s2], $0x1000, $0x38;
	[tilespmem:$0x14000] =	vst v63  }
0x10: {  	_ =	swait.ge [sflag:s8], $0x1000  }
0x11: {  	[sflag:s8] =	ssyncset.done $0x0  }
0x12: {  	s0 =	simm.s32 $0x11000;
	[sflag:s8] =	ssyncadd.s32 $0xFFFFF000  }
0x13: {  	[tilespmem:s0], [sflag:$0x2] =	stream.linear.gather [hbm4b:s5+s2], $0x1000, $0x38;
	[tilespmem:$0x14000] =	vst v63  }
0x14: {  	_ =	swait.ge [sflag:s8], $0x1000  }
0x15: {  	[sflag:s8] =	ssyncset.done $0x0  }
0x16: {  	s12 =	simm.s32 $0x1000;
	[sflag:s8] =	ssyncadd.s32 $0xFFFFF000  }
0x17: {  	[tilespmem:s12], [sflag:$0x1] =	stream.indirect.gather [hbm4b:s3+s10], $0x10, s2, s10, $0xb8;
	[tilespmem:$0x14000] =	vst v63  }
0x18: {  	s1 =	simm.s32 $0x1800  }
0x19: {  	[tilespmem:s1], [sflag:$0x1] =	stream.indirect.gather [hbm4b:s3+s10], $0x10, s10, s10, $0xb8;
	[tilespmem:$0x14000] =	vst v63  }
0x1a: {  	s9 =	simm.s32 $0x100;
	s1 =	simm.s32 $0x2000  }
0x1b: {  	[tilespmem:s1], [sflag:$0x1] =	stream.indirect.gather [hbm4b:s3+s10], $0x10, s9, s10, $0xb8;
	[tilespmem:$0x14000] =	vst v63  }
0x1c: {  	s11 =	simm.s32 $0x180;
	s12 =	simm.s32 $0x2800  }
0x1d: {  	[tilespmem:s12], [sflag:$0x1] =	stream.indirect.gather [hbm4b:s3+s10], $0x10, s11, s10, $0xb8;
	[tilespmem:$0x14000] =	vst v63  }
0x1e: {  	s1 =	simm.s32 $0x200;
	s9 =	simm.s32 $0x3000  }
0x1f: {  	[tilespmem:s9], [sflag:$0x1] =	stream.indirect.gather [hbm4b:s3+s10], $0x10, s1, s10, $0xb8;
	[tilespmem:$0x14000] =	vst v63  }
0x20: {  	s11 =	simm.s32 $0x280;
	s12 =	simm.s32 $0x3800  }
0x21: {  	[tilespmem:s12], [sflag:$0x1] =	stream.indirect.gather [hbm4b:s3+s10], $0x10, s11, s10, $0xb8;
	[tilespmem:$0x14000] =	vst v63  }
0x22: {  	s1 =	simm.s32 $0x300;
	s9 =	simm.s32 $0x4000  }
0x23: {  	[tilespmem:s9], [sflag:$0x1] =	stream.indirect.gather [hbm4b:s3+s10], $0x10, s1, s10, $0xb8;
	[tilespmem:$0x14000] =	vst v63  }
0x24: {  	s11 =	simm.s32 $0x380;
	s12 =	simm.s32 $0x4800  }
0x25: {  	[tilespmem:s12], [sflag:$0x1] =	stream.indirect.gather [hbm4b:s3+s10], $0x10, s11, s10, $0xb8;
	[tilespmem:$0x14000] =	vst v63  }
0x26: {  	s1 =	simm.s32 $0x400;
	s9 =	simm.s32 $0x5000  }
0x27: {  	[tilespmem:s9], [sflag:$0x1] =	stream.indirect.gather [hbm4b:s3+s10], $0x10, s1, s10, $0xb8;
	[tilespmem:$0x14000] =	vst v63  }
0x28: {  	s11 =	simm.s32 $0x480;
	s12 =	simm.s32 $0x5800  }
0x29: {  	[tilespmem:s12], [sflag:$0x1] =	stream.indirect.gather [hbm4b:s3+s10], $0x10, s11, s10, $0xb8;
	[tilespmem:$0x14000] =	vst v63  }
0x2a: {  	s1 =	simm.s32 $0x500;
	s9 =	simm.s32 $0x6000  }
0x2b: {  	[tilespmem:s9], [sflag:$0x1] =	stream.indirect.gather [hbm4b:s3+s10], $0x10, s1, s10, $0xb8;
	[tilespmem:$0x14000] =	vst v63  }
0x2c: {  	s11 =	simm.s32 $0x580;
	s12 =	simm.s32 $0x6800  }
0x2d: {  	[tilespmem:s12], [sflag:$0x1] =	stream.indirect.gather [hbm4b:s3+s10], $0x10, s11, s10, $0xb8;
	[tilespmem:$0x14000] =	vst v63  }
0x2e: {  	s1 =	simm.s32 $0x600;
	s9 =	simm.s32 $0x7000  }
0x2f: {  	[tilespmem:s9], [sflag:$0x1] =	stream.indirect.gather [hbm4b:s3+s10], $0x10, s1, s10, $0xb8;
	[tilespmem:$0x14000] =	vst v63  }
0x30: {  	s11 =	simm.s32 $0x680;
	s12 =	simm.s32 $0x7800  }
0x31: {  	[tilespmem:s12], [sflag:$0x1] =	stream.indirect.gather [hbm4b:s3+s10], $0x10, s11, s10, $0xb8;
	[tilespmem:$0x14000] =	vst v63  }
0x32: {  	s1 =	simm.s32 $0x700;
	s9 =	simm.s32 $0x8000  }
0x33: {  	[tilespmem:s9], [sflag:$0x1] =	stream.indirect.gather [hbm4b:s3+s10], $0x10, s1, s10, $0xb8;
	[tilespmem:$0x14000] =	vst v63  }
0x34: {  	s11 =	simm.s32 $0x780;
	s12 =	simm.s32 $0x8800  }
0x35: {  	[tilespmem:s12], [sflag:$0x1] =	stream.indirect.gather [hbm4b:s3+s10], $0x10, s11, s10, $0xb8;
	[tilespmem:$0x14000] =	vst v63  }
0x36: {  	s1 =	simm.s32 $0x800;
	s9 =	simm.s32 $0x9000  }
0x37: {  	[tilespmem:s9], [sflag:$0x1] =	stream.indirect.gather [hbm4b:s3+s10], $0x10, s1, s10, $0xb8;
	[tilespmem:$0x14000] =	vst v63  }
0x38: {  	s11 =	simm.s32 $0x880;
	s12 =	simm.s32 $0x9800  }
0x39: {  	[tilespmem:s12], [sflag:$0x1] =	stream.indirect.gather [hbm4b:s3+s10], $0x10, s11, s10, $0xb8;
	[tilespmem:$0x14000] =	vst v63  }
0x3a: {  	s1 =	simm.s32 $0x900;
	s9 =	simm.s32 $0xA000  }
0x3b: {  	[tilespmem:s9], [sflag:$0x1] =	stream.indirect.gather [hbm4b:s3+s10], $0x10, s1, s10, $0xb8;
	[tilespmem:$0x14000] =	vst v63  }
0x3c: {  	s11 =	simm.s32 $0x980;
	s12 =	simm.s32 $0xA800  }
0x3d: {  	[tilespmem:s12], [sflag:$0x1] =	stream.indirect.gather [hbm4b:s3+s10], $0x10, s11, s10, $0xb8;
	[tilespmem:$0x14000] =	vst v63  }
0x3e: {  	s1 =	simm.s32 $0xA00;
	s9 =	simm.s32 $0xB000  }
0x3f: {  	[tilespmem:s9], [sflag:$0x1] =	stream.indirect.gather [hbm4b:s3+s10], $0x10, s1, s10, $0xb8;
	[tilespmem:$0x14000] =	vst v63  }
0x40: {  	s11 =	simm.s32 $0xA80;
	s12 =	simm.s32 $0xB800  }
0x41: {  	[tilespmem:s12], [sflag:$0x1] =	stream.indirect.gather [hbm4b:s3+s10], $0x10, s11, s10, $0xb8;
	[tilespmem:$0x14000] =	vst v63  }
0x42: {  	s1 =	simm.s32 $0xB00;
	s9 =	simm.s32 $0xC000  }
0x43: {  	[tilespmem:s9], [sflag:$0x1] =	stream.indirect.gather [hbm4b:s3+s10], $0x10, s1, s10, $0xb8;
	[tilespmem:$0x14000] =	vst v63  }
0x44: {  	s11 =	simm.s32 $0xB80;
	s12 =	simm.s32 $0xC800  }
0x45: {  	[tilespmem:s12], [sflag:$0x1] =	stream.indirect.gather [hbm4b:s3+s10], $0x10, s11, s10, $0xb8;
	[tilespmem:$0x14000] =	vst v63  }
0x46: {  	s1 =	simm.s32 $0xC00;
	s9 =	simm.s32 $0xD000  }
0x47: {  	[tilespmem:s9], [sflag:$0x1] =	stream.indirect.gather [hbm4b:s3+s10], $0x10, s1, s10, $0xb8;
	[tilespmem:$0x14000] =	vst v63  }
0x48: {  	_ = 	snop  }
0x49: {  	[tilespmem:s14], [sflag:$0x1] =	stream.indirect.gather [hbm4b:s3+s10], $0x10, s13, s10, $0xb8;
	[tilespmem:$0x14000] =	vst v63  }
0x4a: {  	_ = 	snop  }
0x4b: {  	[tilespmem:s16], [sflag:$0x1] =	stream.indirect.gather [hbm4b:s3+s10], $0x10, s15, s10, $0xb8;
	[tilespmem:$0x14000] =	vst v63  }
0x4c: {  	_ = 	snop  }
0x4d: {  	[tilespmem:s18], [sflag:$0x1] =	stream.indirect.gather [hbm4b:s3+s10], $0x10, s17, s10, $0xb8;
	[tilespmem:$0x14000] =	vst v63  }
0x4e: {  	_ = 	snop  }
0x4f: {  	[tilespmem:s20], [sflag:$0x1] =	stream.indirect.gather [hbm4b:s3+s10], $0x10, s19, s10, $0xb8;
	[tilespmem:$0x14000] =	vst v63  }
0x50: {  	_ = 	snop  }
0x51: {  	[tilespmem:s22], [sflag:$0x1] =	stream.indirect.gather [hbm4b:s3+s10], $0x10, s21, s10, $0xb8;
	[tilespmem:$0x14000] =	vst v63  }
0x52: {  	_ = 	snop  }
0x53: {  	[tilespmem:s24], [sflag:$0x1] =	stream.indirect.gather [hbm4b:s3+s10], $0x10, s23, s10, $0xb8;
	[tilespmem:$0x14000] =	vst v63  }
0x54: {  	_ = 	snop  }
0x55: {  	[tilespmem:s26], [sflag:$0x1] =	stream.indirect.gather [hbm4b:s3+s10], $0x10, s25, s10, $0xb8;
	[tilespmem:$0x14000] =	vst v63  }
0x56: {  	_ =	swait.ge [sflag:s28], $0x800  }
0x57: {  	[sflag:s28] =	ssyncset.done $0x0  }
0x58: {  	[sflag:s28] =	ssyncadd.s32 $0xFFFFF800  }
0x59: {  	_ =	swait.ge [sflag:s28], $0x800  }
0x5a: {  	[sflag:s28] =	ssyncset.done $0x0  }
0x5b: {  	[sflag:s28] =	ssyncadd.s32 $0xFFFFF800  }
0x5c: {  	_ =	swait.ge [sflag:s28], $0x800  }
0x5d: {  	[sflag:s28] =	ssyncset.done $0x0  }
0x5e: {  	[sflag:s28] =	ssyncadd.s32 $0xFFFFF800  }
0x5f: {  	_ =	swait.ge [sflag:s28], $0x800  }
0x60: {  	[sflag:s28] =	ssyncset.done $0x0  }
0x61: {  	[sflag:s28] =	ssyncadd.s32 $0xFFFFF800  }
0x62: {  	_ =	swait.ge [sflag:s28], $0x800  }
0x63: {  	[sflag:s28] =	ssyncset.done $0x0  }
0x64: {  	[sflag:s28] =	ssyncadd.s32 $0xFFFFF800  }
0x65: {  	_ =	swait.ge [sflag:s28], $0x800  }
0x66: {  	[sflag:s28] =	ssyncset.done $0x0  }
0x67: {  	[sflag:s28] =	ssyncadd.s32 $0xFFFFF800  }
0x68: {  	_ =	swait.ge [sflag:s28], $0x800  }
0x69: {  	[sflag:s28] =	ssyncset.done $0x0  }
0x6a: {  	[sflag:s28] =	ssyncadd.s32 $0xFFFFF800  }
0x6b: {  	_ =	swait.ge [sflag:s28], $0x800  }
0x6c: {  	[sflag:s28] =	ssyncset.done $0x0  }
0x6d: {  	[sflag:s28] =	ssyncadd.s32 $0xFFFFF800  }
0x6e: {  	_ =	swait.ge [sflag:s28], $0x800  }
0x6f: {  	[sflag:s28] =	ssyncset.done $0x0  }
0x70: {  	[sflag:s28] =	ssyncadd.s32 $0xFFFFF800  }
0x71: {  	_ =	swait.ge [sflag:s28], $0x800  }
0x72: {  	[sflag:s28] =	ssyncset.done $0x0  }
0x73: {  	[sflag:s28] =	ssyncadd.s32 $0xFFFFF800  }
0x74: {  	_ =	swait.ge [sflag:s28], $0x800  }
0x75: {  	[sflag:s28] =	ssyncset.done $0x0  }
0x76: {  	[sflag:s28] =	ssyncadd.s32 $0xFFFFF800  }
0x77: {  	_ =	swait.ge [sflag:s28], $0x800  }
0x78: {  	[sflag:s28] =	ssyncset.done $0x0  }
0x79: {  	[sflag:s28] =	ssyncadd.s32 $0xFFFFF800  }
0x7a: {  	_ =	swait.ge [sflag:s28], $0x800  }
0x7b: {  	[sflag:s28] =	ssyncset.done $0x0  }
0x7c: {  	[sflag:s28] =	ssyncadd.s32 $0xFFFFF800  }
0x7d: {  	_ =	swait.ge [sflag:s28], $0x800  }
0x7e: {  	[sflag:s28] =	ssyncset.done $0x0  }
0x7f: {  	[sflag:s28] =	ssyncadd.s32 $0xFFFFF800  }
0x80: {  	_ =	swait.ge [sflag:s28], $0x800  }
0x81: {  	[sflag:s28] =	ssyncset.done $0x0  }
0x82: {  	[sflag:s28] =	ssyncadd.s32 $0xFFFFF800  }
0x83: {  	_ =	swait.ge [sflag:s28], $0x800  }
0x84: {  	[sflag:s28] =	ssyncset.done $0x0  }
0x85: {  	[sflag:s28] =	ssyncadd.s32 $0xFFFFF800  }
0x86: {  	_ =	swait.ge [sflag:s28], $0x800  }
0x87: {  	[sflag:s28] =	ssyncset.done $0x0  }
0x88: {  	[sflag:s28] =	ssyncadd.s32 $0xFFFFF800  }
0x89: {  	_ =	swait.ge [sflag:s28], $0x800  }
0x8a: {  	[sflag:s28] =	ssyncset.done $0x0  }
0x8b: {  	[sflag:s28] =	ssyncadd.s32 $0xFFFFF800  }
0x8c: {  	_ =	swait.ge [sflag:s28], $0x800  }
0x8d: {  	[sflag:s28] =	ssyncset.done $0x0  }
0x8e: {  	[sflag:s28] =	ssyncadd.s32 $0xFFFFF800  }
0x8f: {  	_ =	swait.ge [sflag:s28], $0x800  }
0x90: {  	[sflag:s28] =	ssyncset.done $0x0  }
0x91: {  	[sflag:s28] =	ssyncadd.s32 $0xFFFFF800  }
0x92: {  	_ =	swait.ge [sflag:s28], $0x800  }
0x93: {  	[sflag:s28] =	ssyncset.done $0x0  }
0x94: {  	[sflag:s28] =	ssyncadd.s32 $0xFFFFF800  }
0x95: {  	_ =	swait.ge [sflag:s28], $0x800  }
0x96: {  	[sflag:s28] =	ssyncset.done $0x0  }
0x97: {  	[sflag:s28] =	ssyncadd.s32 $0xFFFFF800  }
0x98: {  	_ =	swait.ge [sflag:s28], $0x800  }
0x99: {  	[sflag:s28] =	ssyncset.done $0x0  }
0x9a: {  	[sflag:s28] =	ssyncadd.s32 $0xFFFFF800  }
0x9b: {  	_ =	swait.ge [sflag:s28], $0x800  }
0x9c: {  	[sflag:s28] =	ssyncset.done $0x0  }
0x9d: {  	[sflag:s28] =	ssyncadd.s32 $0xFFFFF800  }
0x9e: {  	_ =	swait.ge [sflag:s28], $0x800  }
0x9f: {  	[sflag:s28] =	ssyncset.done $0x0  }
0xa0: {  	[sflag:s28] =	ssyncadd.s32 $0xFFFFF800  }
0xa1: {  	_ =	swait.ge [sflag:s28], $0x800  }
0xa2: {  	[sflag:s28] =	ssyncset.done $0x0  }
0xa3: {  	[sflag:s28] =	ssyncadd.s32 $0xFFFFF800  }
0xa4: {  	_ =	swait.ge [sflag:s28], $0x800  }
0xa5: {  	[sflag:s28] =	ssyncset.done $0x0  }
0xa6: {  	[sflag:s28] =	ssyncadd.s32 $0xFFFFF800  }
0xa7: {  	_ =	swait.ge [sflag:s28], $0x800  }
0xa8: {  	[sflag:s28] =	ssyncset.done $0x0  }
0xa9: {  	[sflag:s28] =	ssyncadd.s32 $0xFFFFF800  }
0xaa: {  	_ =	swait.ge [sflag:s28], $0x800  }
0xab: {  	[sflag:s28] =	ssyncset.done $0x0  }
0xac: {  	[sflag:s28] =	ssyncadd.s32 $0xFFFFF800  }
0xad: {  	_ =	swait.ge [sflag:s28], $0x800  }
0xae: {  	[sflag:s28] =	ssyncset.done $0x0  }
0xaf: {  	[sflag:s28] =	ssyncadd.s32 $0xFFFFF800  }
0xb0: {  	_ =	swait.ge [sflag:s28], $0x800  }
0xb1: {  	[sflag:s28] =	ssyncset.done $0x0  }
0xb2: {  	[sflag:s28] =	ssyncadd.s32 $0xFFFFF800  }
0xb3: {  	_ =	swait.ge [sflag:s28], $0x800  }
0xb4: {  	[sflag:s28] =	ssyncset.done $0x0  }
0xb5: {  	s11 =	simm.s32 $0x0;
	[sflag:s28] =	ssyncadd.s32 $0xFFFFF800  }
0xb6: {  	v16 =	vld [tilespmem:s11+$0x11000]  }
0xb7: {  	s12 =	simm.s32 $0x1080  }
0xb8: {  	v17 =	vld [tilespmem:s12+$0xFFFFFF80];
	_ =	sdelay $0x1  }
0xb9: {  	v18 =	vld [tilespmem:s12+$0xFFFFFF90]  }
0xba: {  	v19 =	vperm.xlane v16, v0  }
0xbb: {  	v20 =	vld [tilespmem:s12+$0xFFFFFFA0]  }
0xbc: {  	v21 =	vperm.xlane v16, v1;
	v17 =	vmul.f32 v17, v19  }
0xbd: {  	v19 =	vld [tilespmem:s12+$0xFFFFFFB0]  }
0xbe: {  	v22 =	vperm.xlane v16, v2;
	v18 =	vmul.f32 v18, v21;
	v17 =	vadd.f32 $0.0e+00, v17  }
0xbf: {  	v51 =	vld [tilespmem:s12+$0xFFFFFFC0]  }
0xc0: {  	v23 =	vperm.xlane v16, v3;
	v17 =	vadd.f32 v18, v17;
	v18 =	vmul.f32 v20, v22  }
0xc1: {  	v52 =	vld [tilespmem:s12+$0xFFFFFFD0]  }
0xc2: {  	v53 =	vperm.xlane v16, v4;
	v17 =	vadd.f32 v18, v17;
	v18 =	vmul.f32 v19, v23  }
0xc3: {  	v19 =	vld [tilespmem:s12+$0xFFFFFFE0]  }
0xc4: {  	v54 =	vperm.xlane v16, v5;
	v17 =	vadd.f32 v18, v17;
	v18 =	vmul.f32 v51, v53  }
0xc5: {  	v55 =	vld [tilespmem:s12+$0xFFFFFFF0]  }
0xc6: {  	v56 =	vperm.xlane v16, v6;
	v17 =	vadd.f32 v18, v17;
	v18 =	vmul.f32 v52, v54;
	_ =	sdelay $0x1  }
0xc7: {  	v57 =	vperm.xlane v16, v7;
	v17 =	vadd.f32 v18, v17;
	v18 =	vmul.f32 v19, v56;
	_ =	sdelay $0x1  }
0xc8: {  	v17 =	vadd.f32 v18, v17;
	v18 =	vmul.f32 v55, v57;
	_ =	sdelay $0x1  }
0xc9: {  	v17 =	vadd.f32 v18, v17  }
0xca: {  	s31 =	simm.s32 $0x12010  }
0xcb: {  	[tilespmem:s31+$0xFFFFFFF0] =	vst v17  }
0xcc: {  	v17 =	vld [tilespmem:s12+$0x0];
	_ =	sdelay $0x1  }
0xcd: {  	v18 =	vld [tilespmem:s12+$0x10]  }
0xce: {  	v19 =	vperm.xlane v16, v8  }
0xcf: {  	v58 =	vld [tilespmem:s12+$0x20]  }
0xd0: {  	v17 =	vmul.f32 v17, v19;
	v19 =	vperm.xlane v16, v9  }
0xd1: {  	v59 =	vld [tilespmem:s12+$0x30]  }
0xd2: {  	v17 =	vadd.f32 $0.0e+00, v17;
	v18 =	vmul.f32 v18, v19;
	v19 =	vperm.xlane v16, v10  }
0xd3: {  	v60 =	vld [tilespmem:s12+$0x40]  }
0xd4: {  	v17 =	vadd.f32 v18, v17;
	v18 =	vmul.f32 v58, v19;
	v19 =	vperm.xlane v16, v11  }
0xd5: {  	v61 =	vld [tilespmem:s12+$0x50]  }
0xd6: {  	v17 =	vadd.f32 v18, v17;
	v18 =	vmul.f32 v59, v19;
	v19 =	vperm.xlane v16, v12  }
0xd7: {  	v62 =	vld [tilespmem:s12+$0x60]  }
0xd8: {  	v17 =	vadd.f32 v18, v17;
	v18 =	vmul.f32 v60, v19;
	v19 =	vperm.xlane v16, v13  }
0xd9: {  	v63 =	vld [tilespmem:s12+$0x70]  }
0xda: {  	v17 =	vadd.f32 v18, v17;
	v18 =	vmul.f32 v61, v19;
	v19 =	vperm.xlane v16, v14;
	_ =	sdelay $0x1  }
0xdb: {  	v16 =	vperm.xlane v16, v15;
	v17 =	vadd.f32 v18, v17;
	v18 =	vmul.f32 v62, v19;
	_ =	sdelay $0x1  }
0xdc: {  	v16 =	vmul.f32 v63, v16;
	v17 =	vadd.f32 v18, v17;
	_ =	sdelay $0x1  }
0xdd: {  	s0 =	simm.s32 $0x1180;
	s1 =	simm.s32 $0x40;
	s9 =	simm.s32 $0x80;
	v16 =	vadd.f32 v16, v17  }
.LBB2_2:
0xde: {  	s12 =	sshra.s32 s1, $0x2  }
0xdf: {  	[tilespmem:s31+$0x0] =	vst v16;
	s31 =	sadd.s32 $0x20, s31;
	s1 =	smov.u32 s9;
	s11 =	sadd.s32 $0x40, s9  }
0xe0: {  	p0 =	sne.s32 s9, $0x3FC0;
	v16 =	vld [tilespmem:s12+$0x11000];
	_ =	sdelay $0x1  }
0xe1: {  	v17 =	vld [tilespmem:s0+$0xFFFFFF80];
	_ =	sdelay $0x1  }
0xe2: {  	v18 =	vld [tilespmem:s0+$0xFFFFFF90]  }
0xe3: {  	v19 =	vperm.xlane v16, v0;
	v20 =	vperm.xlane v16, v1  }
0xe4: {  	v21 =	vperm.xlane v16, v2;
	v23 =	vperm.xlane v16, v3;
	v22 =	vld [tilespmem:s0+$0xFFFFFFA0]  }
0xe5: {  	v17 =	vmul.f32 v17, v19;
	v19 =	vperm.xlane v16, v4  }
0xe6: {  	v25 =	vperm.xlane v16, v5;
	v26 =	vperm.xlane v16, v6;
	v24 =	vld [tilespmem:s0+$0xFFFFFFB0]  }
0xe7: {  	v17 =	vadd.f32 $0.0e+00, v17;
	v18 =	vmul.f32 v18, v20;
	v20 =	vperm.xlane v16, v7  }
0xe8: {  	v27 =	vld [tilespmem:s0+$0xFFFFFFC0]  }
0xe9: {  	v17 =	vadd.f32 v18, v17;
	v18 =	vmul.f32 v22, v21  }
0xea: {  	v21 =	vld [tilespmem:s0+$0xFFFFFFD0]  }
0xeb: {  	v17 =	vadd.f32 v18, v17;
	v18 =	vmul.f32 v24, v23  }
0xec: {  	v22 =	vld [tilespmem:s0+$0xFFFFFFE0]  }
0xed: {  	v17 =	vadd.f32 v18, v17;
	v18 =	vmul.f32 v27, v19  }
0xee: {  	v19 =	vld [tilespmem:s0+$0xFFFFFFF0]  }
0xef: {  	v17 =	vadd.f32 v18, v17;
	v18 =	vmul.f32 v21, v25;
	_ =	sdelay $0x1  }
0xf0: {  	v17 =	vadd.f32 v18, v17;
	v18 =	vmul.f32 v22, v26;
	_ =	sdelay $0x1  }
0xf1: {  	v17 =	vadd.f32 v18, v17;
	v18 =	vmul.f32 v19, v20;
	_ =	sdelay $0x1  }
0xf2: {  	v17 =	vadd.f32 v18, v17;
	_ =	sdelay $0x1  }
0xf3: {  	[tilespmem:s31+$0xFFFFFFF0] =	vst v17  }
0xf4: {  	v17 =	vld [tilespmem:s0+$0x0];
	_ =	sdelay $0x1  }
0xf5: {  	v18 =	vld [tilespmem:s0+$0x10]  }
0xf6: {  	v19 =	vperm.xlane v16, v8  }
0xf7: {  	v20 =	vld [tilespmem:s0+$0x20]  }
0xf8: {  	v17 =	vmul.f32 v17, v19;
	v19 =	vperm.xlane v16, v9  }
0xf9: {  	v21 =	vld [tilespmem:s0+$0x30]  }
0xfa: {  	v17 =	vadd.f32 $0.0e+00, v17;
	v18 =	vmul.f32 v18, v19;
	v19 =	vperm.xlane v16, v10  }
0xfb: {  	v22 =	vld [tilespmem:s0+$0x40]  }
0xfc: {  	v17 =	vadd.f32 v18, v17;
	v18 =	vmul.f32 v20, v19;
	v19 =	vperm.xlane v16, v11  }
0xfd: {  	v20 =	vld [tilespmem:s0+$0x50]  }
0xfe: {  	v17 =	vadd.f32 v18, v17;
	v18 =	vmul.f32 v21, v19;
	v19 =	vperm.xlane v16, v12  }
0xff: {  	v21 =	vld [tilespmem:s0+$0x60]  }
0x100: {  	v17 =	vadd.f32 v18, v17;
	v18 =	vmul.f32 v22, v19;
	v19 =	vperm.xlane v16, v13  }
0x101: {  	v22 =	vld [tilespmem:s0+$0x70]  }
0x102: {  	v17 =	vadd.f32 v18, v17;
	v18 =	vmul.f32 v20, v19;
	v19 =	vperm.xlane v16, v14;
	_ =	sdelay $0x1  }
0x103: {  	v16 =	vperm.xlane v16, v15;
	v17 =	vadd.f32 v18, v17;
	v18 =	vmul.f32 v21, v19  }
.Ltmp0:
0x104: {  	(pc) =	sbr.rel @p0 .LBB2_2-.Ltmp0, $3  }
0x105: {  	v17 =	vadd.f32 v18, v17;
	v16 =	vmul.f32 v22, v16;
	_ =	sdelay $0x1  }
0x106: {  	v16 =	vadd.f32 v16, v17  }
0x107: {  	s9 =	smov.u32 s11;
	s0 =	sadd.s32 $0x100, s0  }
0x108: {  	s1 =	sshra.s32 s1, $0x2;
	[tilespmem:s31+$0x0] =	vst v16  }
0x109: {  	v16 =	vld [tilespmem:s1+$0x11000];
	_ =	sdelay $0x1  }
0x10a: {  	v17 =	vld [tilespmem:s0+$0xFFFFFF80];
	_ =	sdelay $0x1  }
0x10b: {  	v18 =	vld [tilespmem:s0+$0xFFFFFF90]  }
0x10c: {  	v19 =	vperm.xlane v16, v0  }
0x10d: {  	v20 =	vld [tilespmem:s0+$0xFFFFFFA0]  }
0x10e: {  	v21 =	vperm.xlane v16, v1;
	v17 =	vmul.f32 v17, v19  }
0x10f: {  	v30 =	vld [tilespmem:s0+$0xFFFFFFB0]  }
0x110: {  	v22 =	vperm.xlane v16, v2;
	v18 =	vmul.f32 v18, v21;
	v17 =	vadd.f32 $0.0e+00, v17  }
0x111: {  	v31 =	vld [tilespmem:s0+$0xFFFFFFC0]  }
0x112: {  	v23 =	vperm.xlane v16, v3;
	v32 =	vmul.f32 v20, v22;
	v17 =	vadd.f32 v18, v17  }
0x113: {  	v33 =	vld [tilespmem:s0+$0xFFFFFFD0]  }
0x114: {  	v34 =	vperm.xlane v16, v4;
	v35 =	vmul.f32 v30, v23;
	v17 =	vadd.f32 v32, v17  }
0x115: {  	v36 =	vld [tilespmem:s0+$0xFFFFFFE0]  }
0x116: {  	v37 =	vperm.xlane v16, v5;
	v38 =	vmul.f32 v31, v34;
	v17 =	vadd.f32 v35, v17  }
0x117: {  	v39 =	vld [tilespmem:s0+$0xFFFFFFF0]  }
0x118: {  	v40 =	vperm.xlane v16, v6;
	v41 =	vmul.f32 v33, v37;
	v17 =	vadd.f32 v38, v17;
	_ =	sdelay $0x1  }
0x119: {  	v42 =	vperm.xlane v16, v7;
	v43 =	vmul.f32 v36, v40;
	v17 =	vadd.f32 v41, v17;
	_ =	sdelay $0x1  }
0x11a: {  	v44 =	vmul.f32 v39, v42;
	v17 =	vadd.f32 v43, v17;
	_ =	sdelay $0x1  }
0x11b: {  	v17 =	vadd.f32 v44, v17  }
0x11c: {  	s31 =	sadd.s32 $0x20, s31  }
0x11d: {  	[tilespmem:s31+$0xFFFFFFF0] =	vst v17  }
0x11e: {  	v17 =	vld [tilespmem:s0+$0x0];
	_ =	sdelay $0x1  }
0x11f: {  	v45 =	vld [tilespmem:s0+$0x10]  }
0x120: {  	v46 =	vperm.xlane v16, v8  }
0x121: {  	v47 =	vld [tilespmem:s0+$0x20]  }
0x122: {  	v48 =	vperm.xlane v16, v9;
	v17 =	vmul.f32 v17, v46  }
0x123: {  	v49 =	vld [tilespmem:s0+$0x30]  }
0x124: {  	v50 =	vperm.xlane v16, v10;
	v18 =	vmul.f32 v45, v48;
	v17 =	vadd.f32 $0.0e+00, v17  }
0x125: {  	v51 =	vld [tilespmem:s0+$0x40]  }
0x126: {  	v53 =	vperm.xlane v16, v11;
	v52 =	vmul.f32 v47, v50;
	v17 =	vadd.f32 v18, v17  }
0x127: {  	v54 =	vld [tilespmem:s0+$0x50]  }
0x128: {  	v56 =	vperm.xlane v16, v12;
	v55 =	vmul.f32 v49, v53;
	v17 =	vadd.f32 v52, v17  }
0x129: {  	v57 =	vld [tilespmem:s0+$0x60]  }
0x12a: {  	v59 =	vperm.xlane v16, v13;
	v58 =	vmul.f32 v51, v56;
	v17 =	vadd.f32 v55, v17  }
0x12b: {  	v60 =	vld [tilespmem:s0+$0x70]  }
0x12c: {  	v62 =	vperm.xlane v16, v14;
	v61 =	vmul.f32 v54, v59;
	v17 =	vadd.f32 v58, v17;
	_ =	sdelay $0x1  }
0x12d: {  	v16 =	vperm.xlane v16, v15;
	v63 =	vmul.f32 v57, v62;
	v17 =	vadd.f32 v61, v17;
	_ =	sdelay $0x1  }
0x12e: {  	v16 =	vmul.f32 v60, v16;
	v17 =	vadd.f32 v63, v17;
	_ =	sdelay $0x1  }
0x12f: {  	s30 =	sadd.s32 $0x1, s30;
	v16 =	vadd.f32 v16, v17  }
0x130: {  	p0 =	sne.s32 s30, s7  }
.Ltmp1:
0x131: {  	[tilespmem:s31+$0x0] =	vst v16;
	(pc) =	sbr.rel @p0 .LBB2_1-.Ltmp1, $4  }
0x132: {  	[hbm4b:s6+s2] =	stream.linear.scatter [tilespmem:s29], [sflag:$0x2], $0x2000, $0x38;
	[tilespmem:$0x14000] =	vst v63  }
0x133: {  	_ =	swait.ge [sflag:s8], $0x2000  }
0x134: {  	[sflag:s8] =	ssyncset.done $0x0  }
0x135: {  	[sflag:s8] =	ssyncadd.s32 $0xFFFFE000  }
0x136: {  	_ =	sfence.sel $0x180000  }
0x137: {  	[bflag:$0x0] =	sbarrier.arrive $0xFFFF  }
0x138: {  	_ =	strace $0x90000047  }
0x139: {  	s0 =	stileid.u32;
	[bflag:$0x2] =	sbarrier.arrive $0xFFFF  }
0x13a: {  	p0 =	sne.s32 s0, $0x0;
	s0 =	rddreg [dreg:$0x2]  }
0x13b: {  	s0 =	sadd.s32 @!p0 $0x100000, s0  }
0x13c: {  	[sflag:s0] =	ssyncadd.tile.s32 @!p0 $0x1;
	_ =	shalt  }
.Lfunc_end2:
_tile_overlayer_lowered:
.L_overlay_start_2:
0x13d: {  	(tag) =	ssettag $0x2  }
0x13e: {  	s0 =	rddreg [dreg:$0x0];
	s2 =	stileid.u32  }
0x13f: {  	s1 =	rddreg [dreg:$0x1];
	p0 =	sne.s32 s2, $0x0  }
0x140: {  	s3 =	rddreg [dreg:$0x2];
	[bflag:$0x3] =	sbarrier.arrive $0xFFFF;
	s2 =	simm.s32 @!p0 $0x1C02  }
0x141: {  	[timem:s3], [sflag:s2] =	dma.local @!p0 [hbm:s0], s1  }
0x142: {  	s0 =	simm.s32 @!p0 $0x2  }
0x143: {  	_ =	swait.ge @!p0 [sflag:s0], s1  }
0x144: {  	s1 =	ssub.s32 @!p0 $0x0, s1;
	[sflag:s0] =	ssyncset.done @!p0 $0x0  }
0x145: {  	[sflag:s0] =	ssyncadd.s32 @!p0 s1  }
0x146: {  	[bflag:$0x3] =	sbarrier.arrive $0xFFFF  }
0x147: {  	_ =	shalt  }

</sc_bundles>
